<compile_context>
chip_gen: v7x
topology: tpu7x:2x2x1
jax: 0.10.2.dev20260603
libtpu: 0.0.44.dev20260713+nightly
codegen_flags: <defaults>
</compile_context>

<pallas_src>
import functools

import jax
import jax.numpy as jnp
from jax import lax
from jax.experimental import pallas as pl
from jax.experimental.pallas import tpu as pltpu
from jax.experimental.pallas import tpu_sc as plsc

_B = 16384
_D = 32
_INFO = plsc.get_sparse_core_info()
_NC, _NS, _L = _INFO.num_cores, _INFO.num_subcores, _INFO.num_lanes
_NW = _NC * _NS
_BPW = _B // _NW
_NG = _BPW // _L
_BLK = 128


def _make_embed():
    mesh = plsc.VectorSubcoreMesh(core_axis_name="c", subcore_axis_name="s")

    @functools.partial(
        pl.kernel,
        mesh=mesh,
        out_type=jax.ShapeDtypeStruct((_D, _B), jnp.float32),
        scratch_types=[
            pltpu.VMEM((_BPW,), jnp.int32),
            pltpu.VMEM((_L, _D, _BLK), jnp.float32),
            pltpu.VMEM((_D, _BPW), jnp.float32),
            pltpu.SemaphoreType.DMA,
        ],
        compiler_params=pltpu.CompilerParams(needs_layout_passes=False),
    )
    def embed(labels_hbm, tablet_hbm, outt_hbm, idx_v, blk_v, cols_v, sem):
        wid = lax.axis_index("s") * _NC + lax.axis_index("c")
        base = wid * _BPW
        pltpu.sync_copy(labels_hbm.at[pl.ds(base, _BPW)], idx_v)

        d_lo = lax.iota(jnp.int32, _L)
        d_hi = d_lo + _L

        def group(g, carry):
            idx16 = idx_v[pl.ds(g * _L, _L)] + 1
            blk16 = lax.shift_right_logical(idx16, 7)
            off16 = lax.bitwise_and(idx16, 127)
            for j in range(_L):
                c0 = pl.multiple_of(blk16[j] * _BLK, _BLK)
                pltpu.async_copy(
                    tablet_hbm.at[:, pl.ds(c0, _BLK)], blk_v.at[j], sem
                )
            for j in range(_L):
                pltpu.make_async_copy(
                    tablet_hbm.at[:, pl.ds(0, _BLK)], blk_v.at[j], sem
                ).wait()
            for j in range(_L):
                jb = jnp.full((_L,), j, jnp.int32)
                ob = jnp.full((_L,), off16[j], jnp.int32)
                pos = jnp.full((_L,), g * _L + j, jnp.int32)
                v_lo = plsc.load_gather(blk_v, [jb, d_lo, ob])
                v_hi = plsc.load_gather(blk_v, [jb, d_hi, ob])
                plsc.store_scatter(cols_v, [d_lo, pos], v_lo)
                plsc.store_scatter(cols_v, [d_hi, pos], v_hi)
            return carry

        lax.fori_loop(0, _NG, group, 0)
        pltpu.sync_copy(cols_v, outt_hbm.at[:, pl.ds(base, _BPW)])

    return embed


_embed = _make_embed()


def kernel(class_labels, table):
    outt = _embed(class_labels, table.T)
    return outt.T

# --- scband reference (transcript-rebuilt; emitter-appended) ---
"""Pipeline reference for scband-label-embedder-54941221650842 (READ-ONLY COPY).

The authoritative reference and input builder live on the scoring server;
editing this copy changes nothing except your own understanding.
"""

import jax, jax.numpy as jnp
import numpy as np

NUM_CLASSES = 1000000
EMBED_DIM = 32
BATCH = 16384


def setup_inputs(seed: int = 0) -> dict:
    key = jax.random.key(seed)
    k1, k2 = jax.random.split(key)
    class_labels = jax.random.randint(k1, (BATCH,), 0, NUM_CLASSES, dtype=jnp.int64 if jax.config.read('jax_enable_x64') else jnp.int32)
    # Embedding table sized (num_classes + 1, embed_dim), matching nn.Embedding(num_classes + 1, embed_dim)
    table = jax.random.normal(k2, (NUM_CLASSES + 1, EMBED_DIM), dtype=jnp.float32)
    return {"class_labels": class_labels, "table": table}


def reference(class_labels, table):
    # Dropout with p=0.0 (eval / no-op). Labels offset by +1 as in the torch module.
    idx = class_labels + 1
    x = jnp.take(table, idx, axis=0)
    return x

if __name__ == "__main__":
    import jax
    _d = setup_inputs()
    print(jax.jit(kernel)(*tuple(_d.values())))

</pallas_src>

<mosaic_0001>
#map = affine_map<(d0, d1) -> (0)>
#map1 = affine_map<(d0, d1) -> (0, 0)>
module attributes {stable_mosaic.version = 14 : i64} {
  func.func @embed(%arg0: i32, %arg1: i32, %arg2: memref<16384xi32, #tpu.memory_space<hbm>>, %arg3: memref<32x1000001xf32, #tpu.memory_space<hbm>>, %arg4: memref<32x16384xf32, #tpu.memory_space<hbm>>, %arg5: memref<512xi32, #tpu.memory_space<vmem>>, %arg6: memref<16x32x128xf32, #tpu.memory_space<vmem>>, %arg7: memref<32x512xf32, #tpu.memory_space<vmem>>, %arg8: memref<!tpu.dma_semaphore, #tpu.memory_space<semaphore_mem>>) attributes {dimension_semantics = [#tpu.dimension_semantics<core_parallel>, #tpu.dimension_semantics<subcore_parallel>], iteration_bounds = array<i64: 2, 16>, scalar_prefetch = 0 : i64, scratch_operands = 4 : i64, tpu.core_type = #tpu.core_type<sc_vector_subcore>, window_params = [{transform_indices = #map}, {transform_indices = #map1}, {transform_indices = #map1}]} {
    %mul3A = arith.constant 2 : i32
    %mul3A_0 = arith.muli %arg1, %mul3A : i32
    %add3A = arith.addi %mul3A_0, %arg0 : i32
    %mul3A_1 = arith.constant 512 : i32
    %mul3A_2 = arith.muli %add3A, %mul3A_1 : i32
    "tpu.region"() ({
      %run_scoped3A = tpu.sem_alloc : memref<!tpu.dma_semaphore, #tpu.memory_space<semaphore_mem>>
      %dma_start3A = tpu.memref_slice %arg2[%mul3A_2] : memref<16384xi32, #tpu.memory_space<hbm>> -> memref<512xi32, #tpu.memory_space<hbm>>
      %dma_start3A_11 = tpu.memref_slice %arg2[%mul3A_2] : memref<16384xi32, #tpu.memory_space<hbm>> -> memref<512xi32, #tpu.memory_space<hbm>>
      tpu.enqueue_dma source(%dma_start3A_11 : memref<512xi32, #tpu.memory_space<hbm>>) target(%arg5 : memref<512xi32, #tpu.memory_space<vmem>>) target_semaphore(%run_scoped3A : memref<!tpu.dma_semaphore, #tpu.memory_space<semaphore_mem>>)
      %dma_wait3A = tpu.memref_slice %arg2[%mul3A_2] : memref<16384xi32, #tpu.memory_space<hbm>> -> memref<512xi32, #tpu.memory_space<hbm>>
      %dma_wait3A_12 = tpu.memref_slice %arg2[%mul3A_2] : memref<16384xi32, #tpu.memory_space<hbm>> -> memref<512xi32, #tpu.memory_space<hbm>>
      tpu.wait_dma2 semaphore(%run_scoped3A : memref<!tpu.dma_semaphore, #tpu.memory_space<semaphore_mem>>) src(%dma_wait3A_12 : memref<512xi32, #tpu.memory_space<hbm>>) dst(%arg5 : memref<512xi32, #tpu.memory_space<vmem>>)
      tpu.yield
    }) : () -> ()
    %iota3A = tpu.iota {dimensions = array<i32: 0>} : vector<16xi32>
    %add3A_3 = arith.constant 16 : i32
    %add3A_4 = vector.broadcast %add3A_3 : i32 to vector<16xi32>
    %add3A_5 = arith.addi %iota3A, %add3A_4 : vector<16xi32>
    %scan3A = arith.constant 0 : i32
    %scan3A_6 = arith.constant 0 : i32
    %scan3A_7 = arith.constant 32 : i32
    %scan3A_8 = arith.addi %scan3A_6, %scan3A_7 : i32
    %scan3A_9 = arith.constant 1 : i32
    scf.for %scan3A_11 = %scan3A_6 to %scan3A_8 step %scan3A_9  : i32 {
      %mul3A_12 = arith.constant 16 : i32
      %mul3A_13 = arith.muli %scan3A_11, %mul3A_12 : i32
      %get3A = arith.index_cast %mul3A_13 : i32 to index
      %get3A_14 = tpu.vector_load %arg5[%get3A] {strides = array<i32>} : memref<512xi32, #tpu.memory_space<vmem>>, vector<16xi32>,
      %add3A_15 = arith.constant 1 : i32
      %add3A_16 = vector.broadcast %add3A_15 : i32 to vector<16xi32>
      %add3A_17 = arith.addi %get3A_14, %add3A_16 : vector<16xi32>
      %shift_right_logical3A = arith.constant 7 : i32
      %shift_right_logical3A_18 = vector.broadcast %shift_right_logical3A : i32 to vector<16xi32>
      %shift_right_logical3A_19 = arith.shrui %add3A_17, %shift_right_logical3A_18 : vector<16xi32>
      %and3A = arith.constant 127 : i32
      %and3A_20 = vector.broadcast %and3A : i32 to vector<16xi32>
      %and3A_21 = arith.andi %add3A_17, %and3A_20 : vector<16xi32>
      %slice3A = vector.extract_strided_slice %shift_right_logical3A_19 {offsets = [0], sizes = [1], strides = [1]} : vector<16xi32> to vector<1xi32>
      %squeeze3A = vector.extract %slice3A[0] : i32 from vector<1xi32>
      %mul3A_22 = arith.constant 128 : i32
      %mul3A_23 = arith.muli %squeeze3A, %mul3A_22 : i32
      %multiple_of3A = tpu.assume_multiple %mul3A_23, 128 : i32
      %dma_start3A = arith.constant 0 : i32
      %dma_start3A_24 = arith.constant 0 : i32
      %dma_start3A_25 = arith.constant 0 : i32
      %dma_start3A_26 = tpu.memref_slice %arg6[%dma_start3A, %dma_start3A_24, %dma_start3A_25] : memref<16x32x128xf32, #tpu.memory_space<vmem>> -> memref<1x32x128xf32, #tpu.memory_space<vmem>>
      %dma_start3A_27 = tpu.memref_squeeze %dma_start3A_26 : memref<1x32x128xf32, #tpu.memory_space<vmem>> -> memref<32x128xf32, #tpu.memory_space<vmem>>
      %dma_start3A_28 = arith.constant 0 : i32
      %dma_start3A_29 = tpu.memref_slice %arg3[%dma_start3A_28, %multiple_of3A] : memref<32x1000001xf32, #tpu.memory_space<hbm>> -> memref<32x128xf32, #tpu.memory_space<hbm>>
      %dma_start3A_30 = arith.constant 0 : i32
      %dma_start3A_31 = arith.constant 0 : i32
      %dma_start3A_32 = tpu.memref_slice %arg6[%dma_start3A, %dma_start3A_30, %dma_start3A_31] : memref<16x32x128xf32, #tpu.memory_space<vmem>> -> memref<1x32x128xf32, #tpu.memory_space<vmem>>
      %dma_start3A_33 = tpu.memref_squeeze %dma_start3A_32 : memref<1x32x128xf32, #tpu.memory_space<vmem>> -> memref<32x128xf32, #tpu.memory_space<vmem>>
      %dma_start3A_34 = arith.constant 0 : i32
      %dma_start3A_35 = tpu.memref_slice %arg3[%dma_start3A_34, %multiple_of3A] : memref<32x1000001xf32, #tpu.memory_space<hbm>> -> memref<32x128xf32, #tpu.memory_space<hbm>>
      tpu.enqueue_dma source(%dma_start3A_35 : memref<32x128xf32, #tpu.memory_space<hbm>>) target(%dma_start3A_33 : memref<32x128xf32, #tpu.memory_space<vmem>>) target_semaphore(%arg8 : memref<!tpu.dma_semaphore, #tpu.memory_space<semaphore_mem>>)
      %slice3A_36 = vector.extract_strided_slice %shift_right_logical3A_19 {offsets = [1], sizes = [1], strides = [1]} : vector<16xi32> to vector<1xi32>
      %squeeze3A_37 = vector.extract %slice3A_36[0] : i32 from vector<1xi32>
      %mul3A_38 = arith.constant 128 : i32
      %mul3A_39 = arith.muli %squeeze3A_37, %mul3A_38 : i32
      %multiple_of3A_40 = tpu.assume_multiple %mul3A_39, 128 : i32
      %dma_start3A_41 = arith.constant 1 : i32
      %dma_start3A_42 = arith.constant 0 : i32
      %dma_start3A_43 = arith.constant 0 : i32
      %dma_start3A_44 = tpu.memref_slice %arg6[%dma_start3A_41, %dma_start3A_42, %dma_start3A_43] : memref<16x32x128xf32, #tpu.memory_space<vmem>> -> memref<1x32x128xf32, #tpu.memory_space<vmem>>
      %dma_start3A_45 = tpu.memref_squeeze %dma_start3A_44 : memref<1x32x128xf32, #tpu.memory_space<vmem>> -> memref<32x128xf32, #tpu.memory_space<vmem>>
      %dma_start3A_46 = arith.constant 0 : i32
      %dma_start3A_47 = tpu.memref_slice %arg3[%dma_start3A_46, %multiple_of3A_40] : memref<32x1000001xf32, #tpu.memory_space<hbm>> -> memref<32x128xf32, #tpu.memory_space<hbm>>
      %dma_start3A_48 = arith.constant 0 : i32
      %dma_start3A_49 = arith.constant 0 : i32
      %dma_start3A_50 = tpu.memref_slice %arg6[%dma_start3A_41, %dma_start3A_48, %dma_start3A_49] : memref<16x32x128xf32, #tpu.memory_space<vmem>> -> memref<1x32x128xf32, #tpu.memory_space<vmem>>
      %dma_start3A_51 = tpu.memref_squeeze %dma_start3A_50 : memref<1x32x128xf32, #tpu.memory_space<vmem>> -> memref<32x128xf32, #tpu.memory_space<vmem>>
      %dma_start3A_52 = arith.constant 0 : i32
      %dma_start3A_53 = tpu.memref_slice %arg3[%dma_start3A_52, %multiple_of3A_40] : memref<32x1000001xf32, #tpu.memory_space<hbm>> -> memref<32x128xf32, #tpu.memory_space<hbm>>
      tpu.enqueue_dma source(%dma_start3A_53 : memref<32x128xf32, #tpu.memory_space<hbm>>) target(%dma_start3A_51 : memref<32x128xf32, #tpu.memory_space<vmem>>) target_semaphore(%arg8 : memref<!tpu.dma_semaphore, #tpu.memory_space<semaphore_mem>>)
      %slice3A_54 = vector.extract_strided_slice %shift_right_logical3A_19 {offsets = [2], sizes = [1], strides = [1]} : vector<16xi32> to vector<1xi32>
      %squeeze3A_55 = vector.extract %slice3A_54[0] : i32 from vector<1xi32>
      %mul3A_56 = arith.constant 128 : i32
      %mul3A_57 = arith.muli %squeeze3A_55, %mul3A_56 : i32
      %multiple_of3A_58 = tpu.assume_multiple %mul3A_57, 128 : i32
      %dma_start3A_59 = arith.constant 2 : i32
      %dma_start3A_60 = arith.constant 0 : i32
      %dma_start3A_61 = arith.constant 0 : i32
      %dma_start3A_62 = tpu.memref_slice %arg6[%dma_start3A_59, %dma_start3A_60, %dma_start3A_61] : memref<16x32x128xf32, #tpu.memory_space<vmem>> -> memref<1x32x128xf32, #tpu.memory_space<vmem>>
      %dma_start3A_63 = tpu.memref_squeeze %dma_start3A_62 : memref<1x32x128xf32, #tpu.memory_space<vmem>> -> memref<32x128xf32, #tpu.memory_space<vmem>>
      %dma_start3A_64 = arith.constant 0 : i32
      %dma_start3A_65 = tpu.memref_slice %arg3[%dma_start3A_64, %multiple_of3A_58] : memref<32x1000001xf32, #tpu.memory_space<hbm>> -> memref<32x128xf32, #tpu.memory_space<hbm>>
      %dma_start3A_66 = arith.constant 0 : i32
      %dma_start3A_67 = arith.constant 0 : i32
      %dma_start3A_68 = tpu.memref_slice %arg6[%dma_start3A_59, %dma_start3A_66, %dma_start3A_67] : memref<16x32x128xf32, #tpu.memory_space<vmem>> -> memref<1x32x128xf32, #tpu.memory_space<vmem>>
      %dma_start3A_69 = tpu.memref_squeeze %dma_start3A_68 : memref<1x32x128xf32, #tpu.memory_space<vmem>> -> memref<32x128xf32, #tpu.memory_space<vmem>>
      %dma_start3A_70 = arith.constant 0 : i32
      %dma_start3A_71 = tpu.memref_slice %arg3[%dma_start3A_70, %multiple_of3A_58] : memref<32x1000001xf32, #tpu.memory_space<hbm>> -> memref<32x128xf32, #tpu.memory_space<hbm>>
      tpu.enqueue_dma source(%dma_start3A_71 : memref<32x128xf32, #tpu.memory_space<hbm>>) target(%dma_start3A_69 : memref<32x128xf32, #tpu.memory_space<vmem>>) target_semaphore(%arg8 : memref<!tpu.dma_semaphore, #tpu.memory_space<semaphore_mem>>)
      %slice3A_72 = vector.extract_strided_slice %shift_right_logical3A_19 {offsets = [3], sizes = [1], strides = [1]} : vector<16xi32> to vector<1xi32>
      %squeeze3A_73 = vector.extract %slice3A_72[0] : i32 from vector<1xi32>
      %mul3A_74 = arith.constant 128 : i32
      %mul3A_75 = arith.muli %squeeze3A_73, %mul3A_74 : i32
      %multiple_of3A_76 = tpu.assume_multiple %mul3A_75, 128 : i32
      %dma_start3A_77 = arith.constant 3 : i32
      %dma_start3A_78 = arith.constant 0 : i32
      %dma_start3A_79 = arith.constant 0 : i32
      %dma_start3A_80 = tpu.memref_slice %arg6[%dma_start3A_77, %dma_start3A_78, %dma_start3A_79] : memref<16x32x128xf32, #tpu.memory_space<vmem>> -> memref<1x32x128xf32, #tpu.memory_space<vmem>>
      %dma_start3A_81 = tpu.memref_squeeze %dma_start3A_80 : memref<1x32x128xf32, #tpu.memory_space<vmem>> -> memref<32x128xf32, #tpu.memory_space<vmem>>
      %dma_start3A_82 = arith.constant 0 : i32
      %dma_start3A_83 = tpu.memref_slice %arg3[%dma_start3A_82, %multiple_of3A_76] : memref<32x1000001xf32, #tpu.memory_space<hbm>> -> memref<32x128xf32, #tpu.memory_space<hbm>>
      %dma_start3A_84 = arith.constant 0 : i32
      %dma_start3A_85 = arith.constant 0 : i32
      %dma_start3A_86 = tpu.memref_slice %arg6[%dma_start3A_77, %dma_start3A_84, %dma_start3A_85] : memref<16x32x128xf32, #tpu.memory_space<vmem>> -> memref<1x32x128xf32, #tpu.memory_space<vmem>>
      %dma_start3A_87 = tpu.memref_squeeze %dma_start3A_86 : memref<1x32x128xf32, #tpu.memory_space<vmem>> -> memref<32x128xf32, #tpu.memory_space<vmem>>
      %dma_start3A_88 = arith.constant 0 : i32
      %dma_start3A_89 = tpu.memref_slice %arg3[%dma_start3A_88, %multiple_of3A_76] : memref<32x1000001xf32, #tpu.memory_space<hbm>> -> memref<32x128xf32, #tpu.memory_space<hbm>>
      tpu.enqueue_dma source(%dma_start3A_89 : memref<32x128xf32, #tpu.memory_space<hbm>>) target(%dma_start3A_87 : memref<32x128xf32, #tpu.memory_space<vmem>>) target_semaphore(%arg8 : memref<!tpu.dma_semaphore, #tpu.memory_space<semaphore_mem>>)
      %slice3A_90 = vector.extract_strided_slice %shift_right_logical3A_19 {offsets = [4], sizes = [1], strides = [1]} : vector<16xi32> to vector<1xi32>
      %squeeze3A_91 = vector.extract %slice3A_90[0] : i32 from vector<1xi32>
      %mul3A_92 = arith.constant 128 : i32
      %mul3A_93 = arith.muli %squeeze3A_91, %mul3A_92 : i32
      %multiple_of3A_94 = tpu.assume_multiple %mul3A_93, 128 : i32
      %dma_start3A_95 = arith.constant 4 : i32
      %dma_start3A_96 = arith.constant 0 : i32
      %dma_start3A_97 = arith.constant 0 : i32
      %dma_start3A_98 = tpu.memref_slice %arg6[%dma_start3A_95, %dma_start3A_96, %dma_start3A_97] : memref<16x32x128xf32, #tpu.memory_space<vmem>> -> memref<1x32x128xf32, #tpu.memory_space<vmem>>
      %dma_start3A_99 = tpu.memref_squeeze %dma_start3A_98 : memref<1x32x128xf32, #tpu.memory_space<vmem>> -> memref<32x128xf32, #tpu.memory_space<vmem>>
      %dma_start3A_100 = arith.constant 0 : i32
      %dma_start3A_101 = tpu.memref_slice %arg3[%dma_start3A_100, %multiple_of3A_94] : memref<32x1000001xf32, #tpu.memory_space<hbm>> -> memref<32x128xf32, #tpu.memory_space<hbm>>
      %dma_start3A_102 = arith.constant 0 : i32
      %dma_start3A_103 = arith.constant 0 : i32
      %dma_start3A_104 = tpu.memref_slice %arg6[%dma_start3A_95, %dma_start3A_102, %dma_start3A_103] : memref<16x32x128xf32, #tpu.memory_space<vmem>> -> memref<1x32x128xf32, #tpu.memory_space<vmem>>
      %dma_start3A_105 = tpu.memref_squeeze %dma_start3A_104 : memref<1x32x128xf32, #tpu.memory_space<vmem>> -> memref<32x128xf32, #tpu.memory_space<vmem>>
      %dma_start3A_106 = arith.constant 0 : i32
      %dma_start3A_107 = tpu.memref_slice %arg3[%dma_start3A_106, %multiple_of3A_94] : memref<32x1000001xf32, #tpu.memory_space<hbm>> -> memref<32x128xf32, #tpu.memory_space<hbm>>
      tpu.enqueue_dma source(%dma_start3A_107 : memref<32x128xf32, #tpu.memory_space<hbm>>) target(%dma_start3A_105 : memref<32x128xf32, #tpu.memory_space<vmem>>) target_semaphore(%arg8 : memref<!tpu.dma_semaphore, #tpu.memory_space<semaphore_mem>>)
      %slice3A_108 = vector.extract_strided_slice %shift_right_logical3A_19 {offsets = [5], sizes = [1], strides = [1]} : vector<16xi32> to vector<1xi32>
      %squeeze3A_109 = vector.extract %slice3A_108[0] : i32 from vector<1xi32>
      %mul3A_110 = arith.constant 128 : i32
      %mul3A_111 = arith.muli %squeeze3A_109, %mul3A_110 : i32
      %multiple_of3A_112 = tpu.assume_multiple %mul3A_111, 128 : i32
      %dma_start3A_113 = arith.constant 5 : i32
      %dma_start3A_114 = arith.constant 0 : i32
      %dma_start3A_115 = arith.constant 0 : i32
      %dma_start3A_116 = tpu.memref_slice %arg6[%dma_start3A_113, %dma_start3A_114, %dma_start3A_115] : memref<16x32x128xf32, #tpu.memory_space<vmem>> -> memref<1x32x128xf32, #tpu.memory_space<vmem>>
      %dma_start3A_117 = tpu.memref_squeeze %dma_start3A_116 : memref<1x32x128xf32, #tpu.memory_space<vmem>> -> memref<32x128xf32, #tpu.memory_space<vmem>>
      %dma_start3A_118 = arith.constant 0 : i32
      %dma_start3A_119 = tpu.memref_slice %arg3[%dma_start3A_118, %multiple_of3A_112] : memref<32x1000001xf32, #tpu.memory_space<hbm>> -> memref<32x128xf32, #tpu.memory_space<hbm>>
      %dma_start3A_120 = arith.constant 0 : i32
      %dma_start3A_121 = arith.constant 0 : i32
      %dma_start3A_122 = tpu.memref_slice %arg6[%dma_start3A_113, %dma_start3A_120, %dma_start3A_121] : memref<16x32x128xf32, #tpu.memory_space<vmem>> -> memref<1x32x128xf32, #tpu.memory_space<vmem>>
      %dma_start3A_123 = tpu.memref_squeeze %dma_start3A_122 : memref<1x32x128xf32, #tpu.memory_space<vmem>> -> memref<32x128xf32, #tpu.memory_space<vmem>>
      %dma_start3A_124 = arith.constant 0 : i32
      %dma_start3A_125 = tpu.memref_slice %arg3[%dma_start3A_124, %multiple_of3A_112] : memref<32x1000001xf32, #tpu.memory_space<hbm>> -> memref<32x128xf32, #tpu.memory_space<hbm>>
      tpu.enqueue_dma source(%dma_start3A_125 : memref<32x128xf32, #tpu.memory_space<hbm>>) target(%dma_start3A_123 : memref<32x128xf32, #tpu.memory_space<vmem>>) target_semaphore(%arg8 : memref<!tpu.dma_semaphore, #tpu.memory_space<semaphore_mem>>)
      %slice3A_126 = vector.extract_strided_slice %shift_right_logical3A_19 {offsets = [6], sizes = [1], strides = [1]} : vector<16xi32> to vector<1xi32>
      %squeeze3A_127 = vector.extract %slice3A_126[0] : i32 from vector<1xi32>
      %mul3A_128 = arith.constant 128 : i32
      %mul3A_129 = arith.muli %squeeze3A_127, %mul3A_128 : i32
      %multiple_of3A_130 = tpu.assume_multiple %mul3A_129, 128 : i32
      %dma_start3A_131 = arith.constant 6 : i32
      %dma_start3A_132 = arith.constant 0 : i32
      %dma_start3A_133 = arith.constant 0 : i32
      %dma_start3A_134 = tpu.memref_slice %arg6[%dma_start3A_131, %dma_start3A_132, %dma_start3A_133] : memref<16x32x128xf32, #tpu.memory_space<vmem>> -> memref<1x32x128xf32, #tpu.memory_space<vmem>>
      %dma_start3A_135 = tpu.memref_squeeze %dma_start3A_134 : memref<1x32x128xf32, #tpu.memory_space<vmem>> -> memref<32x128xf32, #tpu.memory_space<vmem>>
      %dma_start3A_136 = arith.constant 0 : i32
      %dma_start3A_137 = tpu.memref_slice %arg3[%dma_start3A_136, %multiple_of3A_130] : memref<32x1000001xf32, #tpu.memory_space<hbm>> -> memref<32x128xf32, #tpu.memory_space<hbm>>
      %dma_start3A_138 = arith.constant 0 : i32
      %dma_start3A_139 = arith.constant 0 : i32
      %dma_start3A_140 = tpu.memref_slice %arg6[%dma_start3A_131, %dma_start3A_138, %dma_start3A_139] : memref<16x32x128xf32, #tpu.memory_space<vmem>> -> memref<1x32x128xf32, #tpu.memory_space<vmem>>
      %dma_start3A_141 = tpu.memref_squeeze %dma_start3A_140 : memref<1x32x128xf32, #tpu.memory_space<vmem>> -> memref<32x128xf32, #tpu.memory_space<vmem>>
      %dma_start3A_142 = arith.constant 0 : i32
      %dma_start3A_143 = tpu.memref_slice %arg3[%dma_start3A_142, %multiple_of3A_130] : memref<32x1000001xf32, #tpu.memory_space<hbm>> -> memref<32x128xf32, #tpu.memory_space<hbm>>
      tpu.enqueue_dma source(%dma_start3A_143 : memref<32x128xf32, #tpu.memory_space<hbm>>) target(%dma_start3A_141 : memref<32x128xf32, #tpu.memory_space<vmem>>) target_semaphore(%arg8 : memref<!tpu.dma_semaphore, #tpu.memory_space<semaphore_mem>>)
      %slice3A_144 = vector.extract_strided_slice %shift_right_logical3A_19 {offsets = [7], sizes = [1], strides = [1]} : vector<16xi32> to vector<1xi32>
      %squeeze3A_145 = vector.extract %slice3A_144[0] : i32 from vector<1xi32>
      %mul3A_146 = arith.constant 128 : i32
      %mul3A_147 = arith.muli %squeeze3A_145, %mul3A_146 : i32
      %multiple_of3A_148 = tpu.assume_multiple %mul3A_147, 128 : i32
      %dma_start3A_149 = arith.constant 7 : i32
      %dma_start3A_150 = arith.constant 0 : i32
      %dma_start3A_151 = arith.constant 0 : i32
      %dma_start3A_152 = tpu.memref_slice %arg6[%dma_start3A_149, %dma_start3A_150, %dma_start3A_151] : memref<16x32x128xf32, #tpu.memory_space<vmem>> -> memref<1x32x128xf32, #tpu.memory_space<vmem>>
      %dma_start3A_153 = tpu.memref_squeeze %dma_start3A_152 : memref<1x32x128xf32, #tpu.memory_space<vmem>> -> memref<32x128xf32, #tpu.memory_space<vmem>>
      %dma_start3A_154 = arith.constant 0 : i32
      %dma_start3A_155 = tpu.memref_slice %arg3[%dma_start3A_154, %multiple_of3A_148] : memref<32x1000001xf32, #tpu.memory_space<hbm>> -> memref<32x128xf32, #tpu.memory_space<hbm>>
      %dma_start3A_156 = arith.constant 0 : i32
      %dma_start3A_157 = arith.constant 0 : i32
      %dma_start3A_158 = tpu.memref_slice %arg6[%dma_start3A_149, %dma_start3A_156, %dma_start3A_157] : memref<16x32x128xf32, #tpu.memory_space<vmem>> -> memref<1x32x128xf32, #tpu.memory_space<vmem>>
      %dma_start3A_159 = tpu.memref_squeeze %dma_start3A_158 : memref<1x32x128xf32, #tpu.memory_space<vmem>> -> memref<32x128xf32, #tpu.memory_space<vmem>>
      %dma_start3A_160 = arith.constant 0 : i32
      %dma_start3A_161 = tpu.memref_slice %arg3[%dma_start3A_160, %multiple_of3A_148] : memref<32x1000001xf32, #tpu.memory_space<hbm>> -> memref<32x128xf32, #tpu.memory_space<hbm>>
      tpu.enqueue_dma source(%dma_start3A_161 : memref<32x128xf32, #tpu.memory_space<hbm>>) target(%dma_start3A_159 : memref<32x128xf32, #tpu.memory_space<vmem>>) target_semaphore(%arg8 : memref<!tpu.dma_semaphore, #tpu.memory_space<semaphore_mem>>)
      %slice3A_162 = vector.extract_strided_slice %shift_right_logical3A_19 {offsets = [8], sizes = [1], strides = [1]} : vector<16xi32> to vector<1xi32>
      %squeeze3A_163 = vector.extract %slice3A_162[0] : i32 from vector<1xi32>
      %mul3A_164 = arith.constant 128 : i32
      %mul3A_165 = arith.muli %squeeze3A_163, %mul3A_164 : i32
      %multiple_of3A_166 = tpu.assume_multiple %mul3A_165, 128 : i32
      %dma_start3A_167 = arith.constant 8 : i32
      %dma_start3A_168 = arith.constant 0 : i32
      %dma_start3A_169 = arith.constant 0 : i32
      %dma_start3A_170 = tpu.memref_slice %arg6[%dma_start3A_167, %dma_start3A_168, %dma_start3A_169] : memref<16x32x128xf32, #tpu.memory_space<vmem>> -> memref<1x32x128xf32, #tpu.memory_space<vmem>>
      %dma_start3A_171 = tpu.memref_squeeze %dma_start3A_170 : memref<1x32x128xf32, #tpu.memory_space<vmem>> -> memref<32x128xf32, #tpu.memory_space<vmem>>
      %dma_start3A_172 = arith.constant 0 : i32
      %dma_start3A_173 = tpu.memref_slice %arg3[%dma_start3A_172, %multiple_of3A_166] : memref<32x1000001xf32, #tpu.memory_space<hbm>> -> memref<32x128xf32, #tpu.memory_space<hbm>>
      %dma_start3A_174 = arith.constant 0 : i32
      %dma_start3A_175 = arith.constant 0 : i32
      %dma_start3A_176 = tpu.memref_slice %arg6[%dma_start3A_167, %dma_start3A_174, %dma_start3A_175] : memref<16x32x128xf32, #tpu.memory_space<vmem>> -> memref<1x32x128xf32, #tpu.memory_space<vmem>>
      %dma_start3A_177 = tpu.memref_squeeze %dma_start3A_176 : memref<1x32x128xf32, #tpu.memory_space<vmem>> -> memref<32x128xf32, #tpu.memory_space<vmem>>
      %dma_start3A_178 = arith.constant 0 : i32
      %dma_start3A_179 = tpu.memref_slice %arg3[%dma_start3A_178, %multiple_of3A_166] : memref<32x1000001xf32, #tpu.memory_space<hbm>> -> memref<32x128xf32, #tpu.memory_space<hbm>>
      tpu.enqueue_dma source(%dma_start3A_179 : memref<32x128xf32, #tpu.memory_space<hbm>>) target(%dma_start3A_177 : memref<32x128xf32, #tpu.memory_space<vmem>>) target_semaphore(%arg8 : memref<!tpu.dma_semaphore, #tpu.memory_space<semaphore_mem>>)
      %slice3A_180 = vector.extract_strided_slice %shift_right_logical3A_19 {offsets = [9], sizes = [1], strides = [1]} : vector<16xi32> to vector<1xi32>
      %squeeze3A_181 = vector.extract %slice3A_180[0] : i32 from vector<1xi32>
      %mul3A_182 = arith.constant 128 : i32
      %mul3A_183 = arith.muli %squeeze3A_181, %mul3A_182 : i32
      %multiple_of3A_184 = tpu.assume_multiple %mul3A_183, 128 : i32
      %dma_start3A_185 = arith.constant 9 : i32
      %dma_start3A_186 = arith.constant 0 : i32
      %dma_start3A_187 = arith.constant 0 : i32
      %dma_start3A_188 = tpu.memref_slice %arg6[%dma_start3A_185, %dma_start3A_186, %dma_start3A_187] : memref<16x32x128xf32, #tpu.memory_space<vmem>> -> memref<1x32x128xf32, #tpu.memory_space<vmem>>
      %dma_start3A_189 = tpu.memref_squeeze %dma_start3A_188 : memref<1x32x128xf32, #tpu.memory_space<vmem>> -> memref<32x128xf32, #tpu.memory_space<vmem>>
      %dma_start3A_190 = arith.constant 0 : i32
      %dma_start3A_191 = tpu.memref_slice %arg3[%dma_start3A_190, %multiple_of3A_184] : memref<32x1000001xf32, #tpu.memory_space<hbm>> -> memref<32x128xf32, #tpu.memory_space<hbm>>
      %dma_start3A_192 = arith.constant 0 : i32
      %dma_start3A_193 = arith.constant 0 : i32
      %dma_start3A_194 = tpu.memref_slice %arg6[%dma_start3A_185, %dma_start3A_192, %dma_start3A_193] : memref<16x32x128xf32, #tpu.memory_space<vmem>> -> memref<1x32x128xf32, #tpu.memory_space<vmem>>
      %dma_start3A_195 = tpu.memref_squeeze %dma_start3A_194 : memref<1x32x128xf32, #tpu.memory_space<vmem>> -> memref<32x128xf32, #tpu.memory_space<vmem>>
      %dma_start3A_196 = arith.constant 0 : i32
      %dma_start3A_197 = tpu.memref_slice %arg3[%dma_start3A_196, %multiple_of3A_184] : memref<32x1000001xf32, #tpu.memory_space<hbm>> -> memref<32x128xf32, #tpu.memory_space<hbm>>
      tpu.enqueue_dma source(%dma_start3A_197 : memref<32x128xf32, #tpu.memory_space<hbm>>) target(%dma_start3A_195 : memref<32x128xf32, #tpu.memory_space<vmem>>) target_semaphore(%arg8 : memref<!tpu.dma_semaphore, #tpu.memory_space<semaphore_mem>>)
      %slice3A_198 = vector.extract_strided_slice %shift_right_logical3A_19 {offsets = [10], sizes = [1], strides = [1]} : vector<16xi32> to vector<1xi32>
      %squeeze3A_199 = vector.extract %slice3A_198[0] : i32 from vector<1xi32>
      %mul3A_200 = arith.constant 128 : i32
      %mul3A_201 = arith.muli %squeeze3A_199, %mul3A_200 : i32
      %multiple_of3A_202 = tpu.assume_multiple %mul3A_201, 128 : i32
      %dma_start3A_203 = arith.constant 10 : i32
      %dma_start3A_204 = arith.constant 0 : i32
      %dma_start3A_205 = arith.constant 0 : i32
      %dma_start3A_206 = tpu.memref_slice %arg6[%dma_start3A_203, %dma_start3A_204, %dma_start3A_205] : memref<16x32x128xf32, #tpu.memory_space<vmem>> -> memref<1x32x128xf32, #tpu.memory_space<vmem>>
      %dma_start3A_207 = tpu.memref_squeeze %dma_start3A_206 : memref<1x32x128xf32, #tpu.memory_space<vmem>> -> memref<32x128xf32, #tpu.memory_space<vmem>>
      %dma_start3A_208 = arith.constant 0 : i32
      %dma_start3A_209 = tpu.memref_slice %arg3[%dma_start3A_208, %multiple_of3A_202] : memref<32x1000001xf32, #tpu.memory_space<hbm>> -> memref<32x128xf32, #tpu.memory_space<hbm>>
      %dma_start3A_210 = arith.constant 0 : i32
      %dma_start3A_211 = arith.constant 0 : i32
      %dma_start3A_212 = tpu.memref_slice %arg6[%dma_start3A_203, %dma_start3A_210, %dma_start3A_211] : memref<16x32x128xf32, #tpu.memory_space<vmem>> -> memref<1x32x128xf32, #tpu.memory_space<vmem>>
      %dma_start3A_213 = tpu.memref_squeeze %dma_start3A_212 : memref<1x32x128xf32, #tpu.memory_space<vmem>> -> memref<32x128xf32, #tpu.memory_space<vmem>>
      %dma_start3A_214 = arith.constant 0 : i32
      %dma_start3A_215 = tpu.memref_slice %arg3[%dma_start3A_214, %multiple_of3A_202] : memref<32x1000001xf32, #tpu.memory_space<hbm>> -> memref<32x128xf32, #tpu.memory_space<hbm>>
      tpu.enqueue_dma source(%dma_start3A_215 : memref<32x128xf32, #tpu.memory_space<hbm>>) target(%dma_start3A_213 : memref<32x128xf32, #tpu.memory_space<vmem>>) target_semaphore(%arg8 : memref<!tpu.dma_semaphore, #tpu.memory_space<semaphore_mem>>)
      %slice3A_216 = vector.extract_strided_slice %shift_right_logical3A_19 {offsets = [11], sizes = [1], strides = [1]} : vector<16xi32> to vector<1xi32>
      %squeeze3A_217 = vector.extract %slice3A_216[0] : i32 from vector<1xi32>
      %mul3A_218 = arith.constant 128 : i32
      %mul3A_219 = arith.muli %squeeze3A_217, %mul3A_218 : i32
      %multiple_of3A_220 = tpu.assume_multiple %mul3A_219, 128 : i32
      %dma_start3A_221 = arith.constant 11 : i32
      %dma_start3A_222 = arith.constant 0 : i32
      %dma_start3A_223 = arith.constant 0 : i32
      %dma_start3A_224 = tpu.memref_slice %arg6[%dma_start3A_221, %dma_start3A_222, %dma_start3A_223] : memref<16x32x128xf32, #tpu.memory_space<vmem>> -> memref<1x32x128xf32, #tpu.memory_space<vmem>>
      %dma_start3A_225 = tpu.memref_squeeze %dma_start3A_224 : memref<1x32x128xf32, #tpu.memory_space<vmem>> -> memref<32x128xf32, #tpu.memory_space<vmem>>
      %dma_start3A_226 = arith.constant 0 : i32
      %dma_start3A_227 = tpu.memref_slice %arg3[%dma_start3A_226, %multiple_of3A_220] : memref<32x1000001xf32, #tpu.memory_space<hbm>> -> memref<32x128xf32, #tpu.memory_space<hbm>>
      %dma_start3A_228 = arith.constant 0 : i32
      %dma_start3A_229 = arith.constant 0 : i32
      %dma_start3A_230 = tpu.memref_slice %arg6[%dma_start3A_221, %dma_start3A_228, %dma_start3A_229] : memref<16x32x128xf32, #tpu.memory_space<vmem>> -> memref<1x32x128xf32, #tpu.memory_space<vmem>>
      %dma_start3A_231 = tpu.memref_squeeze %dma_start3A_230 : memref<1x32x128xf32, #tpu.memory_space<vmem>> -> memref<32x128xf32, #tpu.memory_space<vmem>>
      %dma_start3A_232 = arith.constant 0 : i32
      %dma_start3A_233 = tpu.memref_slice %arg3[%dma_start3A_232, %multiple_of3A_220] : memref<32x1000001xf32, #tpu.memory_space<hbm>> -> memref<32x128xf32, #tpu.memory_space<hbm>>
      tpu.enqueue_dma source(%dma_start3A_233 : memref<32x128xf32, #tpu.memory_space<hbm>>) target(%dma_start3A_231 : memref<32x128xf32, #tpu.memory_space<vmem>>) target_semaphore(%arg8 : memref<!tpu.dma_semaphore, #tpu.memory_space<semaphore_mem>>)
      %slice3A_234 = vector.extract_strided_slice %shift_right_logical3A_19 {offsets = [12], sizes = [1], strides = [1]} : vector<16xi32> to vector<1xi32>
      %squeeze3A_235 = vector.extract %slice3A_234[0] : i32 from vector<1xi32>
      %mul3A_236 = arith.constant 128 : i32
      %mul3A_237 = arith.muli %squeeze3A_235, %mul3A_236 : i32
      %multiple_of3A_238 = tpu.assume_multiple %mul3A_237, 128 : i32
      %dma_start3A_239 = arith.constant 12 : i32
      %dma_start3A_240 = arith.constant 0 : i32
      %dma_start3A_241 = arith.constant 0 : i32
      %dma_start3A_242 = tpu.memref_slice %arg6[%dma_start3A_239, %dma_start3A_240, %dma_start3A_241] : memref<16x32x128xf32, #tpu.memory_space<vmem>> -> memref<1x32x128xf32, #tpu.memory_space<vmem>>
      %dma_start3A_243 = tpu.memref_squeeze %dma_start3A_242 : memref<1x32x128xf32, #tpu.memory_space<vmem>> -> memref<32x128xf32, #tpu.memory_space<vmem>>
      %dma_start3A_244 = arith.constant 0 : i32
      %dma_start3A_245 = tpu.memref_slice %arg3[%dma_start3A_244, %multiple_of3A_238] : memref<32x1000001xf32, #tpu.memory_space<hbm>> -> memref<32x128xf32, #tpu.memory_space<hbm>>
      %dma_start3A_246 = arith.constant 0 : i32
      %dma_start3A_247 = arith.constant 0 : i32
      %dma_start3A_248 = tpu.memref_slice %arg6[%dma_start3A_239, %dma_start3A_246, %dma_start3A_247] : memref<16x32x128xf32, #tpu.memory_space<vmem>> -> memref<1x32x128xf32, #tpu.memory_space<vmem>>
      %dma_start3A_249 = tpu.memref_squeeze %dma_start3A_248 : memref<1x32x128xf32, #tpu.memory_space<vmem>> -> memref<32x128xf32, #tpu.memory_space<vmem>>
      %dma_start3A_250 = arith.constant 0 : i32
      %dma_start3A_251 = tpu.memref_slice %arg3[%dma_start3A_250, %multiple_of3A_238] : memref<32x1000001xf32, #tpu.memory_space<hbm>> -> memref<32x128xf32, #tpu.memory_space<hbm>>
      tpu.enqueue_dma source(%dma_start3A_251 : memref<32x128xf32, #tpu.memory_space<hbm>>) target(%dma_start3A_249 : memref<32x128xf32, #tpu.memory_space<vmem>>) target_semaphore(%arg8 : memref<!tpu.dma_semaphore, #tpu.memory_space<semaphore_mem>>)
      %slice3A_252 = vector.extract_strided_slice %shift_right_logical3A_19 {offsets = [13], sizes = [1], strides = [1]} : vector<16xi32> to vector<1xi32>
      %squeeze3A_253 = vector.extract %slice3A_252[0] : i32 from vector<1xi32>
      %mul3A_254 = arith.constant 128 : i32
      %mul3A_255 = arith.muli %squeeze3A_253, %mul3A_254 : i32
      %multiple_of3A_256 = tpu.assume_multiple %mul3A_255, 128 : i32
      %dma_start3A_257 = arith.constant 13 : i32
      %dma_start3A_258 = arith.constant 0 : i32
      %dma_start3A_259 = arith.constant 0 : i32
      %dma_start3A_260 = tpu.memref_slice %arg6[%dma_start3A_257, %dma_start3A_258, %dma_start3A_259] : memref<16x32x128xf32, #tpu.memory_space<vmem>> -> memref<1x32x128xf32, #tpu.memory_space<vmem>>
      %dma_start3A_261 = tpu.memref_squeeze %dma_start3A_260 : memref<1x32x128xf32, #tpu.memory_space<vmem>> -> memref<32x128xf32, #tpu.memory_space<vmem>>
      %dma_start3A_262 = arith.constant 0 : i32
      %dma_start3A_263 = tpu.memref_slice %arg3[%dma_start3A_262, %multiple_of3A_256] : memref<32x1000001xf32, #tpu.memory_space<hbm>> -> memref<32x128xf32, #tpu.memory_space<hbm>>
      %dma_start3A_264 = arith.constant 0 : i32
      %dma_start3A_265 = arith.constant 0 : i32
      %dma_start3A_266 = tpu.memref_slice %arg6[%dma_start3A_257, %dma_start3A_264, %dma_start3A_265] : memref<16x32x128xf32, #tpu.memory_space<vmem>> -> memref<1x32x128xf32, #tpu.memory_space<vmem>>
      %dma_start3A_267 = tpu.memref_squeeze %dma_start3A_266 : memref<1x32x128xf32, #tpu.memory_space<vmem>> -> memref<32x128xf32, #tpu.memory_space<vmem>>
      %dma_start3A_268 = arith.constant 0 : i32
      %dma_start3A_269 = tpu.memref_slice %arg3[%dma_start3A_268, %multiple_of3A_256] : memref<32x1000001xf32, #tpu.memory_space<hbm>> -> memref<32x128xf32, #tpu.memory_space<hbm>>
      tpu.enqueue_dma source(%dma_start3A_269 : memref<32x128xf32, #tpu.memory_space<hbm>>) target(%dma_start3A_267 : memref<32x128xf32, #tpu.memory_space<vmem>>) target_semaphore(%arg8 : memref<!tpu.dma_semaphore, #tpu.memory_space<semaphore_mem>>)
      %slice3A_270 = vector.extract_strided_slice %shift_right_logical3A_19 {offsets = [14], sizes = [1], strides = [1]} : vector<16xi32> to vector<1xi32>
      %squeeze3A_271 = vector.extract %slice3A_270[0] : i32 from vector<1xi32>
      %mul3A_272 = arith.constant 128 : i32
      %mul3A_273 = arith.muli %squeeze3A_271, %mul3A_272 : i32
      %multiple_of3A_274 = tpu.assume_multiple %mul3A_273, 128 : i32
      %dma_start3A_275 = arith.constant 14 : i32
      %dma_start3A_276 = arith.constant 0 : i32
      %dma_start3A_277 = arith.constant 0 : i32
      %dma_start3A_278 = tpu.memref_slice %arg6[%dma_start3A_275, %dma_start3A_276, %dma_start3A_277] : memref<16x32x128xf32, #tpu.memory_space<vmem>> -> memref<1x32x128xf32, #tpu.memory_space<vmem>>
      %dma_start3A_279 = tpu.memref_squeeze %dma_start3A_278 : memref<1x32x128xf32, #tpu.memory_space<vmem>> -> memref<32x128xf32, #tpu.memory_space<vmem>>
      %dma_start3A_280 = arith.constant 0 : i32
      %dma_start3A_281 = tpu.memref_slice %arg3[%dma_start3A_280, %multiple_of3A_274] : memref<32x1000001xf32, #tpu.memory_space<hbm>> -> memref<32x128xf32, #tpu.memory_space<hbm>>
      %dma_start3A_282 = arith.constant 0 : i32
      %dma_start3A_283 = arith.constant 0 : i32
      %dma_start3A_284 = tpu.memref_slice %arg6[%dma_start3A_275, %dma_start3A_282, %dma_start3A_283] : memref<16x32x128xf32, #tpu.memory_space<vmem>> -> memref<1x32x128xf32, #tpu.memory_space<vmem>>
      %dma_start3A_285 = tpu.memref_squeeze %dma_start3A_284 : memref<1x32x128xf32, #tpu.memory_space<vmem>> -> memref<32x128xf32, #tpu.memory_space<vmem>>
      %dma_start3A_286 = arith.constant 0 : i32
      %dma_start3A_287 = tpu.memref_slice %arg3[%dma_start3A_286, %multiple_of3A_274] : memref<32x1000001xf32, #tpu.memory_space<hbm>> -> memref<32x128xf32, #tpu.memory_space<hbm>>
      tpu.enqueue_dma source(%dma_start3A_287 : memref<32x128xf32, #tpu.memory_space<hbm>>) target(%dma_start3A_285 : memref<32x128xf32, #tpu.memory_space<vmem>>) target_semaphore(%arg8 : memref<!tpu.dma_semaphore, #tpu.memory_space<semaphore_mem>>)
      %slice3A_288 = vector.extract_strided_slice %shift_right_logical3A_19 {offsets = [15], sizes = [1], strides = [1]} : vector<16xi32> to vector<1xi32>
      %squeeze3A_289 = vector.extract %slice3A_288[0] : i32 from vector<1xi32>
      %mul3A_290 = arith.constant 128 : i32
      %mul3A_291 = arith.muli %squeeze3A_289, %mul3A_290 : i32
      %multiple_of3A_292 = tpu.assume_multiple %mul3A_291, 128 : i32
      %dma_start3A_293 = arith.constant 15 : i32
      %dma_start3A_294 = arith.constant 0 : i32
      %dma_start3A_295 = arith.constant 0 : i32
      %dma_start3A_296 = tpu.memref_slice %arg6[%dma_start3A_293, %dma_start3A_294, %dma_start3A_295] : memref<16x32x128xf32, #tpu.memory_space<vmem>> -> memref<1x32x128xf32, #tpu.memory_space<vmem>>
      %dma_start3A_297 = tpu.memref_squeeze %dma_start3A_296 : memref<1x32x128xf32, #tpu.memory_space<vmem>> -> memref<32x128xf32, #tpu.memory_space<vmem>>
      %dma_start3A_298 = arith.constant 0 : i32
      %dma_start3A_299 = tpu.memref_slice %arg3[%dma_start3A_298, %multiple_of3A_292] : memref<32x1000001xf32, #tpu.memory_space<hbm>> -> memref<32x128xf32, #tpu.memory_space<hbm>>
      %dma_start3A_300 = arith.constant 0 : i32
      %dma_start3A_301 = arith.constant 0 : i32
      %dma_start3A_302 = tpu.memref_slice %arg6[%dma_start3A_293, %dma_start3A_300, %dma_start3A_301] : memref<16x32x128xf32, #tpu.memory_space<vmem>> -> memref<1x32x128xf32, #tpu.memory_space<vmem>>
      %dma_start3A_303 = tpu.memref_squeeze %dma_start3A_302 : memref<1x32x128xf32, #tpu.memory_space<vmem>> -> memref<32x128xf32, #tpu.memory_space<vmem>>
      %dma_start3A_304 = arith.constant 0 : i32
      %dma_start3A_305 = tpu.memref_slice %arg3[%dma_start3A_304, %multiple_of3A_292] : memref<32x1000001xf32, #tpu.memory_space<hbm>> -> memref<32x128xf32, #tpu.memory_space<hbm>>
      tpu.enqueue_dma source(%dma_start3A_305 : memref<32x128xf32, #tpu.memory_space<hbm>>) target(%dma_start3A_303 : memref<32x128xf32, #tpu.memory_space<vmem>>) target_semaphore(%arg8 : memref<!tpu.dma_semaphore, #tpu.memory_space<semaphore_mem>>)
      %dma_wait3A = arith.constant 0 : i32
      %dma_wait3A_306 = arith.constant 0 : i32
      %dma_wait3A_307 = arith.constant 0 : i32
      %dma_wait3A_308 = tpu.memref_slice %arg6[%dma_wait3A, %dma_wait3A_306, %dma_wait3A_307] : memref<16x32x128xf32, #tpu.memory_space<vmem>> -> memref<1x32x128xf32, #tpu.memory_space<vmem>>
      %dma_wait3A_309 = tpu.memref_squeeze %dma_wait3A_308 : memref<1x32x128xf32, #tpu.memory_space<vmem>> -> memref<32x128xf32, #tpu.memory_space<vmem>>
      %dma_wait3A_310 = arith.constant 0 : i32
      %dma_wait3A_311 = arith.constant 0 : i32
      %dma_wait3A_312 = tpu.memref_slice %arg3[%dma_wait3A_310, %dma_wait3A_311] : memref<32x1000001xf32, #tpu.memory_space<hbm>> -> memref<32x128xf32, #tpu.memory_space<hbm>>
      %dma_wait3A_313 = arith.constant 0 : i32
      %dma_wait3A_314 = arith.constant 0 : i32
      %dma_wait3A_315 = tpu.memref_slice %arg6[%dma_wait3A, %dma_wait3A_313, %dma_wait3A_314] : memref<16x32x128xf32, #tpu.memory_space<vmem>> -> memref<1x32x128xf32, #tpu.memory_space<vmem>>
      %dma_wait3A_316 = tpu.memref_squeeze %dma_wait3A_315 : memref<1x32x128xf32, #tpu.memory_space<vmem>> -> memref<32x128xf32, #tpu.memory_space<vmem>>
      %dma_wait3A_317 = arith.constant 0 : i32
      %dma_wait3A_318 = arith.constant 0 : i32
      %dma_wait3A_319 = tpu.memref_slice %arg3[%dma_wait3A_317, %dma_wait3A_318] : memref<32x1000001xf32, #tpu.memory_space<hbm>> -> memref<32x128xf32, #tpu.memory_space<hbm>>
      tpu.wait_dma2 semaphore(%arg8 : memref<!tpu.dma_semaphore, #tpu.memory_space<semaphore_mem>>) src(%dma_wait3A_319 : memref<32x128xf32, #tpu.memory_space<hbm>>) dst(%dma_wait3A_316 : memref<32x128xf32, #tpu.memory_space<vmem>>)
      %dma_wait3A_320 = arith.constant 1 : i32
      %dma_wait3A_321 = arith.constant 0 : i32
      %dma_wait3A_322 = arith.constant 0 : i32
      %dma_wait3A_323 = tpu.memref_slice %arg6[%dma_wait3A_320, %dma_wait3A_321, %dma_wait3A_322] : memref<16x32x128xf32, #tpu.memory_space<vmem>> -> memref<1x32x128xf32, #tpu.memory_space<vmem>>
      %dma_wait3A_324 = tpu.memref_squeeze %dma_wait3A_323 : memref<1x32x128xf32, #tpu.memory_space<vmem>> -> memref<32x128xf32, #tpu.memory_space<vmem>>
      %dma_wait3A_325 = arith.constant 0 : i32
      %dma_wait3A_326 = arith.constant 0 : i32
      %dma_wait3A_327 = tpu.memref_slice %arg3[%dma_wait3A_325, %dma_wait3A_326] : memref<32x1000001xf32, #tpu.memory_space<hbm>> -> memref<32x128xf32, #tpu.memory_space<hbm>>
      %dma_wait3A_328 = arith.constant 0 : i32
      %dma_wait3A_329 = arith.constant 0 : i32
      %dma_wait3A_330 = tpu.memref_slice %arg6[%dma_wait3A_320, %dma_wait3A_328, %dma_wait3A_329] : memref<16x32x128xf32, #tpu.memory_space<vmem>> -> memref<1x32x128xf32, #tpu.memory_space<vmem>>
      %dma_wait3A_331 = tpu.memref_squeeze %dma_wait3A_330 : memref<1x32x128xf32, #tpu.memory_space<vmem>> -> memref<32x128xf32, #tpu.memory_space<vmem>>
      %dma_wait3A_332 = arith.constant 0 : i32
      %dma_wait3A_333 = arith.constant 0 : i32
      %dma_wait3A_334 = tpu.memref_slice %arg3[%dma_wait3A_332, %dma_wait3A_333] : memref<32x1000001xf32, #tpu.memory_space<hbm>> -> memref<32x128xf32, #tpu.memory_space<hbm>>
      tpu.wait_dma2 semaphore(%arg8 : memref<!tpu.dma_semaphore, #tpu.memory_space<semaphore_mem>>) src(%dma_wait3A_334 : memref<32x128xf32, #tpu.memory_space<hbm>>) dst(%dma_wait3A_331 : memref<32x128xf32, #tpu.memory_space<vmem>>)
      %dma_wait3A_335 = arith.constant 2 : i32
      %dma_wait3A_336 = arith.constant 0 : i32
      %dma_wait3A_337 = arith.constant 0 : i32
      %dma_wait3A_338 = tpu.memref_slice %arg6[%dma_wait3A_335, %dma_wait3A_336, %dma_wait3A_337] : memref<16x32x128xf32, #tpu.memory_space<vmem>> -> memref<1x32x128xf32, #tpu.memory_space<vmem>>
      %dma_wait3A_339 = tpu.memref_squeeze %dma_wait3A_338 : memref<1x32x128xf32, #tpu.memory_space<vmem>> -> memref<32x128xf32, #tpu.memory_space<vmem>>
      %dma_wait3A_340 = arith.constant 0 : i32
      %dma_wait3A_341 = arith.constant 0 : i32
      %dma_wait3A_342 = tpu.memref_slice %arg3[%dma_wait3A_340, %dma_wait3A_341] : memref<32x1000001xf32, #tpu.memory_space<hbm>> -> memref<32x128xf32, #tpu.memory_space<hbm>>
      %dma_wait3A_343 = arith.constant 0 : i32
      %dma_wait3A_344 = arith.constant 0 : i32
      %dma_wait3A_345 = tpu.memref_slice %arg6[%dma_wait3A_335, %dma_wait3A_343, %dma_wait3A_344] : memref<16x32x128xf32, #tpu.memory_space<vmem>> -> memref<1x32x128xf32, #tpu.memory_space<vmem>>
      %dma_wait3A_346 = tpu.memref_squeeze %dma_wait3A_345 : memref<1x32x128xf32, #tpu.memory_space<vmem>> -> memref<32x128xf32, #tpu.memory_space<vmem>>
      %dma_wait3A_347 = arith.constant 0 : i32
      %dma_wait3A_348 = arith.constant 0 : i32
      %dma_wait3A_349 = tpu.memref_slice %arg3[%dma_wait3A_347, %dma_wait3A_348] : memref<32x1000001xf32, #tpu.memory_space<hbm>> -> memref<32x128xf32, #tpu.memory_space<hbm>>
      tpu.wait_dma2 semaphore(%arg8 : memref<!tpu.dma_semaphore, #tpu.memory_space<semaphore_mem>>) src(%dma_wait3A_349 : memref<32x128xf32, #tpu.memory_space<hbm>>) dst(%dma_wait3A_346 : memref<32x128xf32, #tpu.memory_space<vmem>>)
      %dma_wait3A_350 = arith.constant 3 : i32
      %dma_wait3A_351 = arith.constant 0 : i32
      %dma_wait3A_352 = arith.constant 0 : i32
      %dma_wait3A_353 = tpu.memref_slice %arg6[%dma_wait3A_350, %dma_wait3A_351, %dma_wait3A_352] : memref<16x32x128xf32, #tpu.memory_space<vmem>> -> memref<1x32x128xf32, #tpu.memory_space<vmem>>
      %dma_wait3A_354 = tpu.memref_squeeze %dma_wait3A_353 : memref<1x32x128xf32, #tpu.memory_space<vmem>> -> memref<32x128xf32, #tpu.memory_space<vmem>>
      %dma_wait3A_355 = arith.constant 0 : i32
      %dma_wait3A_356 = arith.constant 0 : i32
      %dma_wait3A_357 = tpu.memref_slice %arg3[%dma_wait3A_355, %dma_wait3A_356] : memref<32x1000001xf32, #tpu.memory_space<hbm>> -> memref<32x128xf32, #tpu.memory_space<hbm>>
      %dma_wait3A_358 = arith.constant 0 : i32
      %dma_wait3A_359 = arith.constant 0 : i32
      %dma_wait3A_360 = tpu.memref_slice %arg6[%dma_wait3A_350, %dma_wait3A_358, %dma_wait3A_359] : memref<16x32x128xf32, #tpu.memory_space<vmem>> -> memref<1x32x128xf32, #tpu.memory_space<vmem>>
      %dma_wait3A_361 = tpu.memref_squeeze %dma_wait3A_360 : memref<1x32x128xf32, #tpu.memory_space<vmem>> -> memref<32x128xf32, #tpu.memory_space<vmem>>
      %dma_wait3A_362 = arith.constant 0 : i32
      %dma_wait3A_363 = arith.constant 0 : i32
      %dma_wait3A_364 = tpu.memref_slice %arg3[%dma_wait3A_362, %dma_wait3A_363] : memref<32x1000001xf32, #tpu.memory_space<hbm>> -> memref<32x128xf32, #tpu.memory_space<hbm>>
      tpu.wait_dma2 semaphore(%arg8 : memref<!tpu.dma_semaphore, #tpu.memory_space<semaphore_mem>>) src(%dma_wait3A_364 : memref<32x128xf32, #tpu.memory_space<hbm>>) dst(%dma_wait3A_361 : memref<32x128xf32, #tpu.memory_space<vmem>>)
      %dma_wait3A_365 = arith.constant 4 : i32
      %dma_wait3A_366 = arith.constant 0 : i32
      %dma_wait3A_367 = arith.constant 0 : i32
      %dma_wait3A_368 = tpu.memref_slice %arg6[%dma_wait3A_365, %dma_wait3A_366, %dma_wait3A_367] : memref<16x32x128xf32, #tpu.memory_space<vmem>> -> memref<1x32x128xf32, #tpu.memory_space<vmem>>
      %dma_wait3A_369 = tpu.memref_squeeze %dma_wait3A_368 : memref<1x32x128xf32, #tpu.memory_space<vmem>> -> memref<32x128xf32, #tpu.memory_space<vmem>>
      %dma_wait3A_370 = arith.constant 0 : i32
      %dma_wait3A_371 = arith.constant 0 : i32
      %dma_wait3A_372 = tpu.memref_slice %arg3[%dma_wait3A_370, %dma_wait3A_371] : memref<32x1000001xf32, #tpu.memory_space<hbm>> -> memref<32x128xf32, #tpu.memory_space<hbm>>
      %dma_wait3A_373 = arith.constant 0 : i32
      %dma_wait3A_374 = arith.constant 0 : i32
      %dma_wait3A_375 = tpu.memref_slice %arg6[%dma_wait3A_365, %dma_wait3A_373, %dma_wait3A_374] : memref<16x32x128xf32, #tpu.memory_space<vmem>> -> memref<1x32x128xf32, #tpu.memory_space<vmem>>
      %dma_wait3A_376 = tpu.memref_squeeze %dma_wait3A_375 : memref<1x32x128xf32, #tpu.memory_space<vmem>> -> memref<32x128xf32, #tpu.memory_space<vmem>>
      %dma_wait3A_377 = arith.constant 0 : i32
      %dma_wait3A_378 = arith.constant 0 : i32
      %dma_wait3A_379 = tpu.memref_slice %arg3[%dma_wait3A_377, %dma_wait3A_378] : memref<32x1000001xf32, #tpu.memory_space<hbm>> -> memref<32x128xf32, #tpu.memory_space<hbm>>
      tpu.wait_dma2 semaphore(%arg8 : memref<!tpu.dma_semaphore, #tpu.memory_space<semaphore_mem>>) src(%dma_wait3A_379 : memref<32x128xf32, #tpu.memory_space<hbm>>) dst(%dma_wait3A_376 : memref<32x128xf32, #tpu.memory_space<vmem>>)
      %dma_wait3A_380 = arith.constant 5 : i32
      %dma_wait3A_381 = arith.constant 0 : i32
      %dma_wait3A_382 = arith.constant 0 : i32
      %dma_wait3A_383 = tpu.memref_slice %arg6[%dma_wait3A_380, %dma_wait3A_381, %dma_wait3A_382] : memref<16x32x128xf32, #tpu.memory_space<vmem>> -> memref<1x32x128xf32, #tpu.memory_space<vmem>>
      %dma_wait3A_384 = tpu.memref_squeeze %dma_wait3A_383 : memref<1x32x128xf32, #tpu.memory_space<vmem>> -> memref<32x128xf32, #tpu.memory_space<vmem>>
      %dma_wait3A_385 = arith.constant 0 : i32
      %dma_wait3A_386 = arith.constant 0 : i32
      %dma_wait3A_387 = tpu.memref_slice %arg3[%dma_wait3A_385, %dma_wait3A_386] : memref<32x1000001xf32, #tpu.memory_space<hbm>> -> memref<32x128xf32, #tpu.memory_space<hbm>>
      %dma_wait3A_388 = arith.constant 0 : i32
      %dma_wait3A_389 = arith.constant 0 : i32
      %dma_wait3A_390 = tpu.memref_slice %arg6[%dma_wait3A_380, %dma_wait3A_388, %dma_wait3A_389] : memref<16x32x128xf32, #tpu.memory_space<vmem>> -> memref<1x32x128xf32, #tpu.memory_space<vmem>>
      %dma_wait3A_391 = tpu.memref_squeeze %dma_wait3A_390 : memref<1x32x128xf32, #tpu.memory_space<vmem>> -> memref<32x128xf32, #tpu.memory_space<vmem>>
      %dma_wait3A_392 = arith.constant 0 : i32
      %dma_wait3A_393 = arith.constant 0 : i32
      %dma_wait3A_394 = tpu.memref_slice %arg3[%dma_wait3A_392, %dma_wait3A_393] : memref<32x1000001xf32, #tpu.memory_space<hbm>> -> memref<32x128xf32, #tpu.memory_space<hbm>>
      tpu.wait_dma2 semaphore(%arg8 : memref<!tpu.dma_semaphore, #tpu.memory_space<semaphore_mem>>) src(%dma_wait3A_394 : memref<32x128xf32, #tpu.memory_space<hbm>>) dst(%dma_wait3A_391 : memref<32x128xf32, #tpu.memory_space<vmem>>)
      %dma_wait3A_395 = arith.constant 6 : i32
      %dma_wait3A_396 = arith.constant 0 : i32
      %dma_wait3A_397 = arith.constant 0 : i32
      %dma_wait3A_398 = tpu.memref_slice %arg6[%dma_wait3A_395, %dma_wait3A_396, %dma_wait3A_397] : memref<16x32x128xf32, #tpu.memory_space<vmem>> -> memref<1x32x128xf32, #tpu.memory_space<vmem>>
      %dma_wait3A_399 = tpu.memref_squeeze %dma_wait3A_398 : memref<1x32x128xf32, #tpu.memory_space<vmem>> -> memref<32x128xf32, #tpu.memory_space<vmem>>
      %dma_wait3A_400 = arith.constant 0 : i32
      %dma_wait3A_401 = arith.constant 0 : i32
      %dma_wait3A_402 = tpu.memref_slice %arg3[%dma_wait3A_400, %dma_wait3A_401] : memref<32x1000001xf32, #tpu.memory_space<hbm>> -> memref<32x128xf32, #tpu.memory_space<hbm>>
      %dma_wait3A_403 = arith.constant 0 : i32
      %dma_wait3A_404 = arith.constant 0 : i32
      %dma_wait3A_405 = tpu.memref_slice %arg6[%dma_wait3A_395, %dma_wait3A_403, %dma_wait3A_404] : memref<16x32x128xf32, #tpu.memory_space<vmem>> -> memref<1x32x128xf32, #tpu.memory_space<vmem>>
      %dma_wait3A_406 = tpu.memref_squeeze %dma_wait3A_405 : memref<1x32x128xf32, #tpu.memory_space<vmem>> -> memref<32x128xf32, #tpu.memory_space<vmem>>
      %dma_wait3A_407 = arith.constant 0 : i32
      %dma_wait3A_408 = arith.constant 0 : i32
      %dma_wait3A_409 = tpu.memref_slice %arg3[%dma_wait3A_407, %dma_wait3A_408] : memref<32x1000001xf32, #tpu.memory_space<hbm>> -> memref<32x128xf32, #tpu.memory_space<hbm>>
      tpu.wait_dma2 semaphore(%arg8 : memref<!tpu.dma_semaphore, #tpu.memory_space<semaphore_mem>>) src(%dma_wait3A_409 : memref<32x128xf32, #tpu.memory_space<hbm>>) dst(%dma_wait3A_406 : memref<32x128xf32, #tpu.memory_space<vmem>>)
      %dma_wait3A_410 = arith.constant 7 : i32
      %dma_wait3A_411 = arith.constant 0 : i32
      %dma_wait3A_412 = arith.constant 0 : i32
      %dma_wait3A_413 = tpu.memref_slice %arg6[%dma_wait3A_410, %dma_wait3A_411, %dma_wait3A_412] : memref<16x32x128xf32, #tpu.memory_space<vmem>> -> memref<1x32x128xf32, #tpu.memory_space<vmem>>
      %dma_wait3A_414 = tpu.memref_squeeze %dma_wait3A_413 : memref<1x32x128xf32, #tpu.memory_space<vmem>> -> memref<32x128xf32, #tpu.memory_space<vmem>>
      %dma_wait3A_415 = arith.constant 0 : i32
      %dma_wait3A_416 = arith.constant 0 : i32
      %dma_wait3A_417 = tpu.memref_slice %arg3[%dma_wait3A_415, %dma_wait3A_416] : memref<32x1000001xf32, #tpu.memory_space<hbm>> -> memref<32x128xf32, #tpu.memory_space<hbm>>
      %dma_wait3A_418 = arith.constant 0 : i32
      %dma_wait3A_419 = arith.constant 0 : i32
      %dma_wait3A_420 = tpu.memref_slice %arg6[%dma_wait3A_410, %dma_wait3A_418, %dma_wait3A_419] : memref<16x32x128xf32, #tpu.memory_space<vmem>> -> memref<1x32x128xf32, #tpu.memory_space<vmem>>
      %dma_wait3A_421 = tpu.memref_squeeze %dma_wait3A_420 : memref<1x32x128xf32, #tpu.memory_space<vmem>> -> memref<32x128xf32, #tpu.memory_space<vmem>>
      %dma_wait3A_422 = arith.constant 0 : i32
      %dma_wait3A_423 = arith.constant 0 : i32
      %dma_wait3A_424 = tpu.memref_slice %arg3[%dma_wait3A_422, %dma_wait3A_423] : memref<32x1000001xf32, #tpu.memory_space<hbm>> -> memref<32x128xf32, #tpu.memory_space<hbm>>
      tpu.wait_dma2 semaphore(%arg8 : memref<!tpu.dma_semaphore, #tpu.memory_space<semaphore_mem>>) src(%dma_wait3A_424 : memref<32x128xf32, #tpu.memory_space<hbm>>) dst(%dma_wait3A_421 : memref<32x128xf32, #tpu.memory_space<vmem>>)
      %dma_wait3A_425 = arith.constant 8 : i32
      %dma_wait3A_426 = arith.constant 0 : i32
      %dma_wait3A_427 = arith.constant 0 : i32
      %dma_wait3A_428 = tpu.memref_slice %arg6[%dma_wait3A_425, %dma_wait3A_426, %dma_wait3A_427] : memref<16x32x128xf32, #tpu.memory_space<vmem>> -> memref<1x32x128xf32, #tpu.memory_space<vmem>>
      %dma_wait3A_429 = tpu.memref_squeeze %dma_wait3A_428 : memref<1x32x128xf32, #tpu.memory_space<vmem>> -> memref<32x128xf32, #tpu.memory_space<vmem>>
      %dma_wait3A_430 = arith.constant 0 : i32
      %dma_wait3A_431 = arith.constant 0 : i32
      %dma_wait3A_432 = tpu.memref_slice %arg3[%dma_wait3A_430, %dma_wait3A_431] : memref<32x1000001xf32, #tpu.memory_space<hbm>> -> memref<32x128xf32, #tpu.memory_space<hbm>>
      %dma_wait3A_433 = arith.constant 0 : i32
      %dma_wait3A_434 = arith.constant 0 : i32
      %dma_wait3A_435 = tpu.memref_slice %arg6[%dma_wait3A_425, %dma_wait3A_433, %dma_wait3A_434] : memref<16x32x128xf32, #tpu.memory_space<vmem>> -> memref<1x32x128xf32, #tpu.memory_space<vmem>>
      %dma_wait3A_436 = tpu.memref_squeeze %dma_wait3A_435 : memref<1x32x128xf32, #tpu.memory_space<vmem>> -> memref<32x128xf32, #tpu.memory_space<vmem>>
      %dma_wait3A_437 = arith.constant 0 : i32
      %dma_wait3A_438 = arith.constant 0 : i32
      %dma_wait3A_439 = tpu.memref_slice %arg3[%dma_wait3A_437, %dma_wait3A_438] : memref<32x1000001xf32, #tpu.memory_space<hbm>> -> memref<32x128xf32, #tpu.memory_space<hbm>>
      tpu.wait_dma2 semaphore(%arg8 : memref<!tpu.dma_semaphore, #tpu.memory_space<semaphore_mem>>) src(%dma_wait3A_439 : memref<32x128xf32, #tpu.memory_space<hbm>>) dst(%dma_wait3A_436 : memref<32x128xf32, #tpu.memory_space<vmem>>)
      %dma_wait3A_440 = arith.constant 9 : i32
      %dma_wait3A_441 = arith.constant 0 : i32
      %dma_wait3A_442 = arith.constant 0 : i32
      %dma_wait3A_443 = tpu.memref_slice %arg6[%dma_wait3A_440, %dma_wait3A_441, %dma_wait3A_442] : memref<16x32x128xf32, #tpu.memory_space<vmem>> -> memref<1x32x128xf32, #tpu.memory_space<vmem>>
      %dma_wait3A_444 = tpu.memref_squeeze %dma_wait3A_443 : memref<1x32x128xf32, #tpu.memory_space<vmem>> -> memref<32x128xf32, #tpu.memory_space<vmem>>
      %dma_wait3A_445 = arith.constant 0 : i32
      %dma_wait3A_446 = arith.constant 0 : i32
      %dma_wait3A_447 = tpu.memref_slice %arg3[%dma_wait3A_445, %dma_wait3A_446] : memref<32x1000001xf32, #tpu.memory_space<hbm>> -> memref<32x128xf32, #tpu.memory_space<hbm>>
      %dma_wait3A_448 = arith.constant 0 : i32
      %dma_wait3A_449 = arith.constant 0 : i32
      %dma_wait3A_450 = tpu.memref_slice %arg6[%dma_wait3A_440, %dma_wait3A_448, %dma_wait3A_449] : memref<16x32x128xf32, #tpu.memory_space<vmem>> -> memref<1x32x128xf32, #tpu.memory_space<vmem>>
      %dma_wait3A_451 = tpu.memref_squeeze %dma_wait3A_450 : memref<1x32x128xf32, #tpu.memory_space<vmem>> -> memref<32x128xf32, #tpu.memory_space<vmem>>
      %dma_wait3A_452 = arith.constant 0 : i32
      %dma_wait3A_453 = arith.constant 0 : i32
      %dma_wait3A_454 = tpu.memref_slice %arg3[%dma_wait3A_452, %dma_wait3A_453] : memref<32x1000001xf32, #tpu.memory_space<hbm>> -> memref<32x128xf32, #tpu.memory_space<hbm>>
      tpu.wait_dma2 semaphore(%arg8 : memref<!tpu.dma_semaphore, #tpu.memory_space<semaphore_mem>>) src(%dma_wait3A_454 : memref<32x128xf32, #tpu.memory_space<hbm>>) dst(%dma_wait3A_451 : memref<32x128xf32, #tpu.memory_space<vmem>>)
      %dma_wait3A_455 = arith.constant 10 : i32
      %dma_wait3A_456 = arith.constant 0 : i32
      %dma_wait3A_457 = arith.constant 0 : i32
      %dma_wait3A_458 = tpu.memref_slice %arg6[%dma_wait3A_455, %dma_wait3A_456, %dma_wait3A_457] : memref<16x32x128xf32, #tpu.memory_space<vmem>> -> memref<1x32x128xf32, #tpu.memory_space<vmem>>
      %dma_wait3A_459 = tpu.memref_squeeze %dma_wait3A_458 : memref<1x32x128xf32, #tpu.memory_space<vmem>> -> memref<32x128xf32, #tpu.memory_space<vmem>>
      %dma_wait3A_460 = arith.constant 0 : i32
      %dma_wait3A_461 = arith.constant 0 : i32
      %dma_wait3A_462 = tpu.memref_slice %arg3[%dma_wait3A_460, %dma_wait3A_461] : memref<32x1000001xf32, #tpu.memory_space<hbm>> -> memref<32x128xf32, #tpu.memory_space<hbm>>
      %dma_wait3A_463 = arith.constant 0 : i32
      %dma_wait3A_464 = arith.constant 0 : i32
      %dma_wait3A_465 = tpu.memref_slice %arg6[%dma_wait3A_455, %dma_wait3A_463, %dma_wait3A_464] : memref<16x32x128xf32, #tpu.memory_space<vmem>> -> memref<1x32x128xf32, #tpu.memory_space<vmem>>
      %dma_wait3A_466 = tpu.memref_squeeze %dma_wait3A_465 : memref<1x32x128xf32, #tpu.memory_space<vmem>> -> memref<32x128xf32, #tpu.memory_space<vmem>>
      %dma_wait3A_467 = arith.constant 0 : i32
      %dma_wait3A_468 = arith.constant 0 : i32
      %dma_wait3A_469 = tpu.memref_slice %arg3[%dma_wait3A_467, %dma_wait3A_468] : memref<32x1000001xf32, #tpu.memory_space<hbm>> -> memref<32x128xf32, #tpu.memory_space<hbm>>
      tpu.wait_dma2 semaphore(%arg8 : memref<!tpu.dma_semaphore, #tpu.memory_space<semaphore_mem>>) src(%dma_wait3A_469 : memref<32x128xf32, #tpu.memory_space<hbm>>) dst(%dma_wait3A_466 : memref<32x128xf32, #tpu.memory_space<vmem>>)
      %dma_wait3A_470 = arith.constant 11 : i32
      %dma_wait3A_471 = arith.constant 0 : i32
      %dma_wait3A_472 = arith.constant 0 : i32
      %dma_wait3A_473 = tpu.memref_slice %arg6[%dma_wait3A_470, %dma_wait3A_471, %dma_wait3A_472] : memref<16x32x128xf32, #tpu.memory_space<vmem>> -> memref<1x32x128xf32, #tpu.memory_space<vmem>>
      %dma_wait3A_474 = tpu.memref_squeeze %dma_wait3A_473 : memref<1x32x128xf32, #tpu.memory_space<vmem>> -> memref<32x128xf32, #tpu.memory_space<vmem>>
      %dma_wait3A_475 = arith.constant 0 : i32
      %dma_wait3A_476 = arith.constant 0 : i32
      %dma_wait3A_477 = tpu.memref_slice %arg3[%dma_wait3A_475, %dma_wait3A_476] : memref<32x1000001xf32, #tpu.memory_space<hbm>> -> memref<32x128xf32, #tpu.memory_space<hbm>>
      %dma_wait3A_478 = arith.constant 0 : i32
      %dma_wait3A_479 = arith.constant 0 : i32
      %dma_wait3A_480 = tpu.memref_slice %arg6[%dma_wait3A_470, %dma_wait3A_478, %dma_wait3A_479] : memref<16x32x128xf32, #tpu.memory_space<vmem>> -> memref<1x32x128xf32, #tpu.memory_space<vmem>>
      %dma_wait3A_481 = tpu.memref_squeeze %dma_wait3A_480 : memref<1x32x128xf32, #tpu.memory_space<vmem>> -> memref<32x128xf32, #tpu.memory_space<vmem>>
      %dma_wait3A_482 = arith.constant 0 : i32
      %dma_wait3A_483 = arith.constant 0 : i32
      %dma_wait3A_484 = tpu.memref_slice %arg3[%dma_wait3A_482, %dma_wait3A_483] : memref<32x1000001xf32, #tpu.memory_space<hbm>> -> memref<32x128xf32, #tpu.memory_space<hbm>>
      tpu.wait_dma2 semaphore(%arg8 : memref<!tpu.dma_semaphore, #tpu.memory_space<semaphore_mem>>) src(%dma_wait3A_484 : memref<32x128xf32, #tpu.memory_space<hbm>>) dst(%dma_wait3A_481 : memref<32x128xf32, #tpu.memory_space<vmem>>)
      %dma_wait3A_485 = arith.constant 12 : i32
      %dma_wait3A_486 = arith.constant 0 : i32
      %dma_wait3A_487 = arith.constant 0 : i32
      %dma_wait3A_488 = tpu.memref_slice %arg6[%dma_wait3A_485, %dma_wait3A_486, %dma_wait3A_487] : memref<16x32x128xf32, #tpu.memory_space<vmem>> -> memref<1x32x128xf32, #tpu.memory_space<vmem>>
      %dma_wait3A_489 = tpu.memref_squeeze %dma_wait3A_488 : memref<1x32x128xf32, #tpu.memory_space<vmem>> -> memref<32x128xf32, #tpu.memory_space<vmem>>
      %dma_wait3A_490 = arith.constant 0 : i32
      %dma_wait3A_491 = arith.constant 0 : i32
      %dma_wait3A_492 = tpu.memref_slice %arg3[%dma_wait3A_490, %dma_wait3A_491] : memref<32x1000001xf32, #tpu.memory_space<hbm>> -> memref<32x128xf32, #tpu.memory_space<hbm>>
      %dma_wait3A_493 = arith.constant 0 : i32
      %dma_wait3A_494 = arith.constant 0 : i32
      %dma_wait3A_495 = tpu.memref_slice %arg6[%dma_wait3A_485, %dma_wait3A_493, %dma_wait3A_494] : memref<16x32x128xf32, #tpu.memory_space<vmem>> -> memref<1x32x128xf32, #tpu.memory_space<vmem>>
      %dma_wait3A_496 = tpu.memref_squeeze %dma_wait3A_495 : memref<1x32x128xf32, #tpu.memory_space<vmem>> -> memref<32x128xf32, #tpu.memory_space<vmem>>
      %dma_wait3A_497 = arith.constant 0 : i32
      %dma_wait3A_498 = arith.constant 0 : i32
      %dma_wait3A_499 = tpu.memref_slice %arg3[%dma_wait3A_497, %dma_wait3A_498] : memref<32x1000001xf32, #tpu.memory_space<hbm>> -> memref<32x128xf32, #tpu.memory_space<hbm>>
      tpu.wait_dma2 semaphore(%arg8 : memref<!tpu.dma_semaphore, #tpu.memory_space<semaphore_mem>>) src(%dma_wait3A_499 : memref<32x128xf32, #tpu.memory_space<hbm>>) dst(%dma_wait3A_496 : memref<32x128xf32, #tpu.memory_space<vmem>>)
      %dma_wait3A_500 = arith.constant 13 : i32
      %dma_wait3A_501 = arith.constant 0 : i32
      %dma_wait3A_502 = arith.constant 0 : i32
      %dma_wait3A_503 = tpu.memref_slice %arg6[%dma_wait3A_500, %dma_wait3A_501, %dma_wait3A_502] : memref<16x32x128xf32, #tpu.memory_space<vmem>> -> memref<1x32x128xf32, #tpu.memory_space<vmem>>
      %dma_wait3A_504 = tpu.memref_squeeze %dma_wait3A_503 : memref<1x32x128xf32, #tpu.memory_space<vmem>> -> memref<32x128xf32, #tpu.memory_space<vmem>>
      %dma_wait3A_505 = arith.constant 0 : i32
      %dma_wait3A_506 = arith.constant 0 : i32
      %dma_wait3A_507 = tpu.memref_slice %arg3[%dma_wait3A_505, %dma_wait3A_506] : memref<32x1000001xf32, #tpu.memory_space<hbm>> -> memref<32x128xf32, #tpu.memory_space<hbm>>
      %dma_wait3A_508 = arith.constant 0 : i32
      %dma_wait3A_509 = arith.constant 0 : i32
      %dma_wait3A_510 = tpu.memref_slice %arg6[%dma_wait3A_500, %dma_wait3A_508, %dma_wait3A_509] : memref<16x32x128xf32, #tpu.memory_space<vmem>> -> memref<1x32x128xf32, #tpu.memory_space<vmem>>
      %dma_wait3A_511 = tpu.memref_squeeze %dma_wait3A_510 : memref<1x32x128xf32, #tpu.memory_space<vmem>> -> memref<32x128xf32, #tpu.memory_space<vmem>>
      %dma_wait3A_512 = arith.constant 0 : i32
      %dma_wait3A_513 = arith.constant 0 : i32
      %dma_wait3A_514 = tpu.memref_slice %arg3[%dma_wait3A_512, %dma_wait3A_513] : memref<32x1000001xf32, #tpu.memory_space<hbm>> -> memref<32x128xf32, #tpu.memory_space<hbm>>
      tpu.wait_dma2 semaphore(%arg8 : memref<!tpu.dma_semaphore, #tpu.memory_space<semaphore_mem>>) src(%dma_wait3A_514 : memref<32x128xf32, #tpu.memory_space<hbm>>) dst(%dma_wait3A_511 : memref<32x128xf32, #tpu.memory_space<vmem>>)
      %dma_wait3A_515 = arith.constant 14 : i32
      %dma_wait3A_516 = arith.constant 0 : i32
      %dma_wait3A_517 = arith.constant 0 : i32
      %dma_wait3A_518 = tpu.memref_slice %arg6[%dma_wait3A_515, %dma_wait3A_516, %dma_wait3A_517] : memref<16x32x128xf32, #tpu.memory_space<vmem>> -> memref<1x32x128xf32, #tpu.memory_space<vmem>>
      %dma_wait3A_519 = tpu.memref_squeeze %dma_wait3A_518 : memref<1x32x128xf32, #tpu.memory_space<vmem>> -> memref<32x128xf32, #tpu.memory_space<vmem>>
      %dma_wait3A_520 = arith.constant 0 : i32
      %dma_wait3A_521 = arith.constant 0 : i32
      %dma_wait3A_522 = tpu.memref_slice %arg3[%dma_wait3A_520, %dma_wait3A_521] : memref<32x1000001xf32, #tpu.memory_space<hbm>> -> memref<32x128xf32, #tpu.memory_space<hbm>>
      %dma_wait3A_523 = arith.constant 0 : i32
      %dma_wait3A_524 = arith.constant 0 : i32
      %dma_wait3A_525 = tpu.memref_slice %arg6[%dma_wait3A_515, %dma_wait3A_523, %dma_wait3A_524] : memref<16x32x128xf32, #tpu.memory_space<vmem>> -> memref<1x32x128xf32, #tpu.memory_space<vmem>>
      %dma_wait3A_526 = tpu.memref_squeeze %dma_wait3A_525 : memref<1x32x128xf32, #tpu.memory_space<vmem>> -> memref<32x128xf32, #tpu.memory_space<vmem>>
      %dma_wait3A_527 = arith.constant 0 : i32
      %dma_wait3A_528 = arith.constant 0 : i32
      %dma_wait3A_529 = tpu.memref_slice %arg3[%dma_wait3A_527, %dma_wait3A_528] : memref<32x1000001xf32, #tpu.memory_space<hbm>> -> memref<32x128xf32, #tpu.memory_space<hbm>>
      tpu.wait_dma2 semaphore(%arg8 : memref<!tpu.dma_semaphore, #tpu.memory_space<semaphore_mem>>) src(%dma_wait3A_529 : memref<32x128xf32, #tpu.memory_space<hbm>>) dst(%dma_wait3A_526 : memref<32x128xf32, #tpu.memory_space<vmem>>)
      %dma_wait3A_530 = arith.constant 15 : i32
      %dma_wait3A_531 = arith.constant 0 : i32
      %dma_wait3A_532 = arith.constant 0 : i32
      %dma_wait3A_533 = tpu.memref_slice %arg6[%dma_wait3A_530, %dma_wait3A_531, %dma_wait3A_532] : memref<16x32x128xf32, #tpu.memory_space<vmem>> -> memref<1x32x128xf32, #tpu.memory_space<vmem>>
      %dma_wait3A_534 = tpu.memref_squeeze %dma_wait3A_533 : memref<1x32x128xf32, #tpu.memory_space<vmem>> -> memref<32x128xf32, #tpu.memory_space<vmem>>
      %dma_wait3A_535 = arith.constant 0 : i32
      %dma_wait3A_536 = arith.constant 0 : i32
      %dma_wait3A_537 = tpu.memref_slice %arg3[%dma_wait3A_535, %dma_wait3A_536] : memref<32x1000001xf32, #tpu.memory_space<hbm>> -> memref<32x128xf32, #tpu.memory_space<hbm>>
      %dma_wait3A_538 = arith.constant 0 : i32
      %dma_wait3A_539 = arith.constant 0 : i32
      %dma_wait3A_540 = tpu.memref_slice %arg6[%dma_wait3A_530, %dma_wait3A_538, %dma_wait3A_539] : memref<16x32x128xf32, #tpu.memory_space<vmem>> -> memref<1x32x128xf32, #tpu.memory_space<vmem>>
      %dma_wait3A_541 = tpu.memref_squeeze %dma_wait3A_540 : memref<1x32x128xf32, #tpu.memory_space<vmem>> -> memref<32x128xf32, #tpu.memory_space<vmem>>
      %dma_wait3A_542 = arith.constant 0 : i32
      %dma_wait3A_543 = arith.constant 0 : i32
      %dma_wait3A_544 = tpu.memref_slice %arg3[%dma_wait3A_542, %dma_wait3A_543] : memref<32x1000001xf32, #tpu.memory_space<hbm>> -> memref<32x128xf32, #tpu.memory_space<hbm>>
      tpu.wait_dma2 semaphore(%arg8 : memref<!tpu.dma_semaphore, #tpu.memory_space<semaphore_mem>>) src(%dma_wait3A_544 : memref<32x128xf32, #tpu.memory_space<hbm>>) dst(%dma_wait3A_541 : memref<32x128xf32, #tpu.memory_space<vmem>>)
      %broadcast_in_dim3A = arith.constant 0 : i32
      %broadcast_in_dim3A_545 = vector.broadcast %broadcast_in_dim3A : i32 to vector<16xi32>
      %slice3A_546 = vector.extract_strided_slice %and3A_21 {offsets = [0], sizes = [1], strides = [1]} : vector<16xi32> to vector<1xi32>
      %squeeze3A_547 = vector.extract %slice3A_546[0] : i32 from vector<1xi32>
      %broadcast_in_dim3A_548 = vector.broadcast %squeeze3A_547 : i32 to vector<16xi32>
      %mul3A_549 = arith.constant 16 : i32
      %mul3A_550 = arith.muli %scan3A_11, %mul3A_549 : i32
      %add3A_551 = arith.constant 0 : i32
      %add3A_552 = arith.addi %mul3A_550, %add3A_551 : i32
      %broadcast_in_dim3A_553 = vector.broadcast %add3A_552 : i32 to vector<16xi32>
      %gather3A = tpu.vector_load_idx %arg6[%broadcast_in_dim3A_545, %iota3A, %broadcast_in_dim3A_548] : memref<16x32x128xf32, #tpu.memory_space<vmem>>[vector<16xi32>, vector<16xi32>, vector<16xi32>], vector<16xf32>,
      %gather3A_554 = tpu.vector_load_idx %arg6[%broadcast_in_dim3A_545, %add3A_5, %broadcast_in_dim3A_548] : memref<16x32x128xf32, #tpu.memory_space<vmem>>[vector<16xi32>, vector<16xi32>, vector<16xi32>], vector<16xf32>,
      tpu.vector_store_idx %arg7[%iota3A, %broadcast_in_dim3A_553], %gather3A : memref<32x512xf32, #tpu.memory_space<vmem>>[vector<16xi32>, vector<16xi32>], vector<16xf32>,
      tpu.vector_store_idx %arg7[%add3A_5, %broadcast_in_dim3A_553], %gather3A_554 : memref<32x512xf32, #tpu.memory_space<vmem>>[vector<16xi32>, vector<16xi32>], vector<16xf32>,
      %broadcast_in_dim3A_555 = arith.constant 1 : i32
      %broadcast_in_dim3A_556 = vector.broadcast %broadcast_in_dim3A_555 : i32 to vector<16xi32>
      %slice3A_557 = vector.extract_strided_slice %and3A_21 {offsets = [1], sizes = [1], strides = [1]} : vector<16xi32> to vector<1xi32>
      %squeeze3A_558 = vector.extract %slice3A_557[0] : i32 from vector<1xi32>
      %broadcast_in_dim3A_559 = vector.broadcast %squeeze3A_558 : i32 to vector<16xi32>
      %mul3A_560 = arith.constant 16 : i32
      %mul3A_561 = arith.muli %scan3A_11, %mul3A_560 : i32
      %add3A_562 = arith.constant 1 : i32
      %add3A_563 = arith.addi %mul3A_561, %add3A_562 : i32
      %broadcast_in_dim3A_564 = vector.broadcast %add3A_563 : i32 to vector<16xi32>
      %gather3A_565 = tpu.vector_load_idx %arg6[%broadcast_in_dim3A_556, %iota3A, %broadcast_in_dim3A_559] : memref<16x32x128xf32, #tpu.memory_space<vmem>>[vector<16xi32>, vector<16xi32>, vector<16xi32>], vector<16xf32>,
      %gather3A_566 = tpu.vector_load_idx %arg6[%broadcast_in_dim3A_556, %add3A_5, %broadcast_in_dim3A_559] : memref<16x32x128xf32, #tpu.memory_space<vmem>>[vector<16xi32>, vector<16xi32>, vector<16xi32>], vector<16xf32>,
      tpu.vector_store_idx %arg7[%iota3A, %broadcast_in_dim3A_564], %gather3A_565 : memref<32x512xf32, #tpu.memory_space<vmem>>[vector<16xi32>, vector<16xi32>], vector<16xf32>,
      tpu.vector_store_idx %arg7[%add3A_5, %broadcast_in_dim3A_564], %gather3A_566 : memref<32x512xf32, #tpu.memory_space<vmem>>[vector<16xi32>, vector<16xi32>], vector<16xf32>,
      %broadcast_in_dim3A_567 = arith.constant 2 : i32
      %broadcast_in_dim3A_568 = vector.broadcast %broadcast_in_dim3A_567 : i32 to vector<16xi32>
      %slice3A_569 = vector.extract_strided_slice %and3A_21 {offsets = [2], sizes = [1], strides = [1]} : vector<16xi32> to vector<1xi32>
      %squeeze3A_570 = vector.extract %slice3A_569[0] : i32 from vector<1xi32>
      %broadcast_in_dim3A_571 = vector.broadcast %squeeze3A_570 : i32 to vector<16xi32>
      %mul3A_572 = arith.constant 16 : i32
      %mul3A_573 = arith.muli %scan3A_11, %mul3A_572 : i32
      %add3A_574 = arith.constant 2 : i32
      %add3A_575 = arith.addi %mul3A_573, %add3A_574 : i32
      %broadcast_in_dim3A_576 = vector.broadcast %add3A_575 : i32 to vector<16xi32>
      %gather3A_577 = tpu.vector_load_idx %arg6[%broadcast_in_dim3A_568, %iota3A, %broadcast_in_dim3A_571] : memref<16x32x128xf32, #tpu.memory_space<vmem>>[vector<16xi32>, vector<16xi32>, vector<16xi32>], vector<16xf32>,
      %gather3A_578 = tpu.vector_load_idx %arg6[%broadcast_in_dim3A_568, %add3A_5, %broadcast_in_dim3A_571] : memref<16x32x128xf32, #tpu.memory_space<vmem>>[vector<16xi32>, vector<16xi32>, vector<16xi32>], vector<16xf32>,
      tpu.vector_store_idx %arg7[%iota3A, %broadcast_in_dim3A_576], %gather3A_577 : memref<32x512xf32, #tpu.memory_space<vmem>>[vector<16xi32>, vector<16xi32>], vector<16xf32>,
      tpu.vector_store_idx %arg7[%add3A_5, %broadcast_in_dim3A_576], %gather3A_578 : memref<32x512xf32, #tpu.memory_space<vmem>>[vector<16xi32>, vector<16xi32>], vector<16xf32>,
      %broadcast_in_dim3A_579 = arith.constant 3 : i32
      %broadcast_in_dim3A_580 = vector.broadcast %broadcast_in_dim3A_579 : i32 to vector<16xi32>
      %slice3A_581 = vector.extract_strided_slice %and3A_21 {offsets = [3], sizes = [1], strides = [1]} : vector<16xi32> to vector<1xi32>
      %squeeze3A_582 = vector.extract %slice3A_581[0] : i32 from vector<1xi32>
      %broadcast_in_dim3A_583 = vector.broadcast %squeeze3A_582 : i32 to vector<16xi32>
      %mul3A_584 = arith.constant 16 : i32
      %mul3A_585 = arith.muli %scan3A_11, %mul3A_584 : i32
      %add3A_586 = arith.constant 3 : i32
      %add3A_587 = arith.addi %mul3A_585, %add3A_586 : i32
      %broadcast_in_dim3A_588 = vector.broadcast %add3A_587 : i32 to vector<16xi32>
      %gather3A_589 = tpu.vector_load_idx %arg6[%broadcast_in_dim3A_580, %iota3A, %broadcast_in_dim3A_583] : memref<16x32x128xf32, #tpu.memory_space<vmem>>[vector<16xi32>, vector<16xi32>, vector<16xi32>], vector<16xf32>,
      %gather3A_590 = tpu.vector_load_idx %arg6[%broadcast_in_dim3A_580, %add3A_5, %broadcast_in_dim3A_583] : memref<16x32x128xf32, #tpu.memory_space<vmem>>[vector<16xi32>, vector<16xi32>, vector<16xi32>], vector<16xf32>,
      tpu.vector_store_idx %arg7[%iota3A, %broadcast_in_dim3A_588], %gather3A_589 : memref<32x512xf32, #tpu.memory_space<vmem>>[vector<16xi32>, vector<16xi32>], vector<16xf32>,
      tpu.vector_store_idx %arg7[%add3A_5, %broadcast_in_dim3A_588], %gather3A_590 : memref<32x512xf32, #tpu.memory_space<vmem>>[vector<16xi32>, vector<16xi32>], vector<16xf32>,
      %broadcast_in_dim3A_591 = arith.constant 4 : i32
      %broadcast_in_dim3A_592 = vector.broadcast %broadcast_in_dim3A_591 : i32 to vector<16xi32>
      %slice3A_593 = vector.extract_strided_slice %and3A_21 {offsets = [4], sizes = [1], strides = [1]} : vector<16xi32> to vector<1xi32>
      %squeeze3A_594 = vector.extract %slice3A_593[0] : i32 from vector<1xi32>
      %broadcast_in_dim3A_595 = vector.broadcast %squeeze3A_594 : i32 to vector<16xi32>
      %mul3A_596 = arith.constant 16 : i32
      %mul3A_597 = arith.muli %scan3A_11, %mul3A_596 : i32
      %add3A_598 = arith.constant 4 : i32
      %add3A_599 = arith.addi %mul3A_597, %add3A_598 : i32
      %broadcast_in_dim3A_600 = vector.broadcast %add3A_599 : i32 to vector<16xi32>
      %gather3A_601 = tpu.vector_load_idx %arg6[%broadcast_in_dim3A_592, %iota3A, %broadcast_in_dim3A_595] : memref<16x32x128xf32, #tpu.memory_space<vmem>>[vector<16xi32>, vector<16xi32>, vector<16xi32>], vector<16xf32>,
      %gather3A_602 = tpu.vector_load_idx %arg6[%broadcast_in_dim3A_592, %add3A_5, %broadcast_in_dim3A_595] : memref<16x32x128xf32, #tpu.memory_space<vmem>>[vector<16xi32>, vector<16xi32>, vector<16xi32>], vector<16xf32>,
      tpu.vector_store_idx %arg7[%iota3A, %broadcast_in_dim3A_600], %gather3A_601 : memref<32x512xf32, #tpu.memory_space<vmem>>[vector<16xi32>, vector<16xi32>], vector<16xf32>,
      tpu.vector_store_idx %arg7[%add3A_5, %broadcast_in_dim3A_600], %gather3A_602 : memref<32x512xf32, #tpu.memory_space<vmem>>[vector<16xi32>, vector<16xi32>], vector<16xf32>,
      %broadcast_in_dim3A_603 = arith.constant 5 : i32
      %broadcast_in_dim3A_604 = vector.broadcast %broadcast_in_dim3A_603 : i32 to vector<16xi32>
      %slice3A_605 = vector.extract_strided_slice %and3A_21 {offsets = [5], sizes = [1], strides = [1]} : vector<16xi32> to vector<1xi32>
      %squeeze3A_606 = vector.extract %slice3A_605[0] : i32 from vector<1xi32>
      %broadcast_in_dim3A_607 = vector.broadcast %squeeze3A_606 : i32 to vector<16xi32>
      %mul3A_608 = arith.constant 16 : i32
      %mul3A_609 = arith.muli %scan3A_11, %mul3A_608 : i32
      %add3A_610 = arith.constant 5 : i32
      %add3A_611 = arith.addi %mul3A_609, %add3A_610 : i32
      %broadcast_in_dim3A_612 = vector.broadcast %add3A_611 : i32 to vector<16xi32>
      %gather3A_613 = tpu.vector_load_idx %arg6[%broadcast_in_dim3A_604, %iota3A, %broadcast_in_dim3A_607] : memref<16x32x128xf32, #tpu.memory_space<vmem>>[vector<16xi32>, vector<16xi32>, vector<16xi32>], vector<16xf32>,
      %gather3A_614 = tpu.vector_load_idx %arg6[%broadcast_in_dim3A_604, %add3A_5, %broadcast_in_dim3A_607] : memref<16x32x128xf32, #tpu.memory_space<vmem>>[vector<16xi32>, vector<16xi32>, vector<16xi32>], vector<16xf32>,
      tpu.vector_store_idx %arg7[%iota3A, %broadcast_in_dim3A_612], %gather3A_613 : memref<32x512xf32, #tpu.memory_space<vmem>>[vector<16xi32>, vector<16xi32>], vector<16xf32>,
      tpu.vector_store_idx %arg7[%add3A_5, %broadcast_in_dim3A_612], %gather3A_614 : memref<32x512xf32, #tpu.memory_space<vmem>>[vector<16xi32>, vector<16xi32>], vector<16xf32>,
      %broadcast_in_dim3A_615 = arith.constant 6 : i32
      %broadcast_in_dim3A_616 = vector.broadcast %broadcast_in_dim3A_615 : i32 to vector<16xi32>
      %slice3A_617 = vector.extract_strided_slice %and3A_21 {offsets = [6], sizes = [1], strides = [1]} : vector<16xi32> to vector<1xi32>
      %squeeze3A_618 = vector.extract %slice3A_617[0] : i32 from vector<1xi32>
      %broadcast_in_dim3A_619 = vector.broadcast %squeeze3A_618 : i32 to vector<16xi32>
      %mul3A_620 = arith.constant 16 : i32
      %mul3A_621 = arith.muli %scan3A_11, %mul3A_620 : i32
      %add3A_622 = arith.constant 6 : i32
      %add3A_623 = arith.addi %mul3A_621, %add3A_622 : i32
      %broadcast_in_dim3A_624 = vector.broadcast %add3A_623 : i32 to vector<16xi32>
      %gather3A_625 = tpu.vector_load_idx %arg6[%broadcast_in_dim3A_616, %iota3A, %broadcast_in_dim3A_619] : memref<16x32x128xf32, #tpu.memory_space<vmem>>[vector<16xi32>, vector<16xi32>, vector<16xi32>], vector<16xf32>,
      %gather3A_626 = tpu.vector_load_idx %arg6[%broadcast_in_dim3A_616, %add3A_5, %broadcast_in_dim3A_619] : memref<16x32x128xf32, #tpu.memory_space<vmem>>[vector<16xi32>, vector<16xi32>, vector<16xi32>], vector<16xf32>,
      tpu.vector_store_idx %arg7[%iota3A, %broadcast_in_dim3A_624], %gather3A_625 : memref<32x512xf32, #tpu.memory_space<vmem>>[vector<16xi32>, vector<16xi32>], vector<16xf32>,
      tpu.vector_store_idx %arg7[%add3A_5, %broadcast_in_dim3A_624], %gather3A_626 : memref<32x512xf32, #tpu.memory_space<vmem>>[vector<16xi32>, vector<16xi32>], vector<16xf32>,
      %broadcast_in_dim3A_627 = arith.constant 7 : i32
      %broadcast_in_dim3A_628 = vector.broadcast %broadcast_in_dim3A_627 : i32 to vector<16xi32>
      %slice3A_629 = vector.extract_strided_slice %and3A_21 {offsets = [7], sizes = [1], strides = [1]} : vector<16xi32> to vector<1xi32>
      %squeeze3A_630 = vector.extract %slice3A_629[0] : i32 from vector<1xi32>
      %broadcast_in_dim3A_631 = vector.broadcast %squeeze3A_630 : i32 to vector<16xi32>
      %mul3A_632 = arith.constant 16 : i32
      %mul3A_633 = arith.muli %scan3A_11, %mul3A_632 : i32
      %add3A_634 = arith.constant 7 : i32
      %add3A_635 = arith.addi %mul3A_633, %add3A_634 : i32
      %broadcast_in_dim3A_636 = vector.broadcast %add3A_635 : i32 to vector<16xi32>
      %gather3A_637 = tpu.vector_load_idx %arg6[%broadcast_in_dim3A_628, %iota3A, %broadcast_in_dim3A_631] : memref<16x32x128xf32, #tpu.memory_space<vmem>>[vector<16xi32>, vector<16xi32>, vector<16xi32>], vector<16xf32>,
      %gather3A_638 = tpu.vector_load_idx %arg6[%broadcast_in_dim3A_628, %add3A_5, %broadcast_in_dim3A_631] : memref<16x32x128xf32, #tpu.memory_space<vmem>>[vector<16xi32>, vector<16xi32>, vector<16xi32>], vector<16xf32>,
      tpu.vector_store_idx %arg7[%iota3A, %broadcast_in_dim3A_636], %gather3A_637 : memref<32x512xf32, #tpu.memory_space<vmem>>[vector<16xi32>, vector<16xi32>], vector<16xf32>,
      tpu.vector_store_idx %arg7[%add3A_5, %broadcast_in_dim3A_636], %gather3A_638 : memref<32x512xf32, #tpu.memory_space<vmem>>[vector<16xi32>, vector<16xi32>], vector<16xf32>,
      %broadcast_in_dim3A_639 = arith.constant 8 : i32
      %broadcast_in_dim3A_640 = vector.broadcast %broadcast_in_dim3A_639 : i32 to vector<16xi32>
      %slice3A_641 = vector.extract_strided_slice %and3A_21 {offsets = [8], sizes = [1], strides = [1]} : vector<16xi32> to vector<1xi32>
      %squeeze3A_642 = vector.extract %slice3A_641[0] : i32 from vector<1xi32>
      %broadcast_in_dim3A_643 = vector.broadcast %squeeze3A_642 : i32 to vector<16xi32>
      %mul3A_644 = arith.constant 16 : i32
      %mul3A_645 = arith.muli %scan3A_11, %mul3A_644 : i32
      %add3A_646 = arith.constant 8 : i32
      %add3A_647 = arith.addi %mul3A_645, %add3A_646 : i32
      %broadcast_in_dim3A_648 = vector.broadcast %add3A_647 : i32 to vector<16xi32>
      %gather3A_649 = tpu.vector_load_idx %arg6[%broadcast_in_dim3A_640, %iota3A, %broadcast_in_dim3A_643] : memref<16x32x128xf32, #tpu.memory_space<vmem>>[vector<16xi32>, vector<16xi32>, vector<16xi32>], vector<16xf32>,
      %gather3A_650 = tpu.vector_load_idx %arg6[%broadcast_in_dim3A_640, %add3A_5, %broadcast_in_dim3A_643] : memref<16x32x128xf32, #tpu.memory_space<vmem>>[vector<16xi32>, vector<16xi32>, vector<16xi32>], vector<16xf32>,
      tpu.vector_store_idx %arg7[%iota3A, %broadcast_in_dim3A_648], %gather3A_649 : memref<32x512xf32, #tpu.memory_space<vmem>>[vector<16xi32>, vector<16xi32>], vector<16xf32>,
      tpu.vector_store_idx %arg7[%add3A_5, %broadcast_in_dim3A_648], %gather3A_650 : memref<32x512xf32, #tpu.memory_space<vmem>>[vector<16xi32>, vector<16xi32>], vector<16xf32>,
      %broadcast_in_dim3A_651 = arith.constant 9 : i32
      %broadcast_in_dim3A_652 = vector.broadcast %broadcast_in_dim3A_651 : i32 to vector<16xi32>
      %slice3A_653 = vector.extract_strided_slice %and3A_21 {offsets = [9], sizes = [1], strides = [1]} : vector<16xi32> to vector<1xi32>
      %squeeze3A_654 = vector.extract %slice3A_653[0] : i32 from vector<1xi32>
      %broadcast_in_dim3A_655 = vector.broadcast %squeeze3A_654 : i32 to vector<16xi32>
      %mul3A_656 = arith.constant 16 : i32
      %mul3A_657 = arith.muli %scan3A_11, %mul3A_656 : i32
      %add3A_658 = arith.constant 9 : i32
      %add3A_659 = arith.addi %mul3A_657, %add3A_658 : i32
      %broadcast_in_dim3A_660 = vector.broadcast %add3A_659 : i32 to vector<16xi32>
      %gather3A_661 = tpu.vector_load_idx %arg6[%broadcast_in_dim3A_652, %iota3A, %broadcast_in_dim3A_655] : memref<16x32x128xf32, #tpu.memory_space<vmem>>[vector<16xi32>, vector<16xi32>, vector<16xi32>], vector<16xf32>,
      %gather3A_662 = tpu.vector_load_idx %arg6[%broadcast_in_dim3A_652, %add3A_5, %broadcast_in_dim3A_655] : memref<16x32x128xf32, #tpu.memory_space<vmem>>[vector<16xi32>, vector<16xi32>, vector<16xi32>], vector<16xf32>,
      tpu.vector_store_idx %arg7[%iota3A, %broadcast_in_dim3A_660], %gather3A_661 : memref<32x512xf32, #tpu.memory_space<vmem>>[vector<16xi32>, vector<16xi32>], vector<16xf32>,
      tpu.vector_store_idx %arg7[%add3A_5, %broadcast_in_dim3A_660], %gather3A_662 : memref<32x512xf32, #tpu.memory_space<vmem>>[vector<16xi32>, vector<16xi32>], vector<16xf32>,
      %broadcast_in_dim3A_663 = arith.constant 10 : i32
      %broadcast_in_dim3A_664 = vector.broadcast %broadcast_in_dim3A_663 : i32 to vector<16xi32>
      %slice3A_665 = vector.extract_strided_slice %and3A_21 {offsets = [10], sizes = [1], strides = [1]} : vector<16xi32> to vector<1xi32>
      %squeeze3A_666 = vector.extract %slice3A_665[0] : i32 from vector<1xi32>
      %broadcast_in_dim3A_667 = vector.broadcast %squeeze3A_666 : i32 to vector<16xi32>
      %mul3A_668 = arith.constant 16 : i32
      %mul3A_669 = arith.muli %scan3A_11, %mul3A_668 : i32
      %add3A_670 = arith.constant 10 : i32
      %add3A_671 = arith.addi %mul3A_669, %add3A_670 : i32
      %broadcast_in_dim3A_672 = vector.broadcast %add3A_671 : i32 to vector<16xi32>
      %gather3A_673 = tpu.vector_load_idx %arg6[%broadcast_in_dim3A_664, %iota3A, %broadcast_in_dim3A_667] : memref<16x32x128xf32, #tpu.memory_space<vmem>>[vector<16xi32>, vector<16xi32>, vector<16xi32>], vector<16xf32>,
      %gather3A_674 = tpu.vector_load_idx %arg6[%broadcast_in_dim3A_664, %add3A_5, %broadcast_in_dim3A_667] : memref<16x32x128xf32, #tpu.memory_space<vmem>>[vector<16xi32>, vector<16xi32>, vector<16xi32>], vector<16xf32>,
      tpu.vector_store_idx %arg7[%iota3A, %broadcast_in_dim3A_672], %gather3A_673 : memref<32x512xf32, #tpu.memory_space<vmem>>[vector<16xi32>, vector<16xi32>], vector<16xf32>,
      tpu.vector_store_idx %arg7[%add3A_5, %broadcast_in_dim3A_672], %gather3A_674 : memref<32x512xf32, #tpu.memory_space<vmem>>[vector<16xi32>, vector<16xi32>], vector<16xf32>,
      %broadcast_in_dim3A_675 = arith.constant 11 : i32
      %broadcast_in_dim3A_676 = vector.broadcast %broadcast_in_dim3A_675 : i32 to vector<16xi32>
      %slice3A_677 = vector.extract_strided_slice %and3A_21 {offsets = [11], sizes = [1], strides = [1]} : vector<16xi32> to vector<1xi32>
      %squeeze3A_678 = vector.extract %slice3A_677[0] : i32 from vector<1xi32>
      %broadcast_in_dim3A_679 = vector.broadcast %squeeze3A_678 : i32 to vector<16xi32>
      %mul3A_680 = arith.constant 16 : i32
      %mul3A_681 = arith.muli %scan3A_11, %mul3A_680 : i32
      %add3A_682 = arith.constant 11 : i32
      %add3A_683 = arith.addi %mul3A_681, %add3A_682 : i32
      %broadcast_in_dim3A_684 = vector.broadcast %add3A_683 : i32 to vector<16xi32>
      %gather3A_685 = tpu.vector_load_idx %arg6[%broadcast_in_dim3A_676, %iota3A, %broadcast_in_dim3A_679] : memref<16x32x128xf32, #tpu.memory_space<vmem>>[vector<16xi32>, vector<16xi32>, vector<16xi32>], vector<16xf32>,
      %gather3A_686 = tpu.vector_load_idx %arg6[%broadcast_in_dim3A_676, %add3A_5, %broadcast_in_dim3A_679] : memref<16x32x128xf32, #tpu.memory_space<vmem>>[vector<16xi32>, vector<16xi32>, vector<16xi32>], vector<16xf32>,
      tpu.vector_store_idx %arg7[%iota3A, %broadcast_in_dim3A_684], %gather3A_685 : memref<32x512xf32, #tpu.memory_space<vmem>>[vector<16xi32>, vector<16xi32>], vector<16xf32>,
      tpu.vector_store_idx %arg7[%add3A_5, %broadcast_in_dim3A_684], %gather3A_686 : memref<32x512xf32, #tpu.memory_space<vmem>>[vector<16xi32>, vector<16xi32>], vector<16xf32>,
      %broadcast_in_dim3A_687 = arith.constant 12 : i32
      %broadcast_in_dim3A_688 = vector.broadcast %broadcast_in_dim3A_687 : i32 to vector<16xi32>
      %slice3A_689 = vector.extract_strided_slice %and3A_21 {offsets = [12], sizes = [1], strides = [1]} : vector<16xi32> to vector<1xi32>
      %squeeze3A_690 = vector.extract %slice3A_689[0] : i32 from vector<1xi32>
      %broadcast_in_dim3A_691 = vector.broadcast %squeeze3A_690 : i32 to vector<16xi32>
      %mul3A_692 = arith.constant 16 : i32
      %mul3A_693 = arith.muli %scan3A_11, %mul3A_692 : i32
      %add3A_694 = arith.constant 12 : i32
      %add3A_695 = arith.addi %mul3A_693, %add3A_694 : i32
      %broadcast_in_dim3A_696 = vector.broadcast %add3A_695 : i32 to vector<16xi32>
      %gather3A_697 = tpu.vector_load_idx %arg6[%broadcast_in_dim3A_688, %iota3A, %broadcast_in_dim3A_691] : memref<16x32x128xf32, #tpu.memory_space<vmem>>[vector<16xi32>, vector<16xi32>, vector<16xi32>], vector<16xf32>,
      %gather3A_698 = tpu.vector_load_idx %arg6[%broadcast_in_dim3A_688, %add3A_5, %broadcast_in_dim3A_691] : memref<16x32x128xf32, #tpu.memory_space<vmem>>[vector<16xi32>, vector<16xi32>, vector<16xi32>], vector<16xf32>,
      tpu.vector_store_idx %arg7[%iota3A, %broadcast_in_dim3A_696], %gather3A_697 : memref<32x512xf32, #tpu.memory_space<vmem>>[vector<16xi32>, vector<16xi32>], vector<16xf32>,
      tpu.vector_store_idx %arg7[%add3A_5, %broadcast_in_dim3A_696], %gather3A_698 : memref<32x512xf32, #tpu.memory_space<vmem>>[vector<16xi32>, vector<16xi32>], vector<16xf32>,
      %broadcast_in_dim3A_699 = arith.constant 13 : i32
      %broadcast_in_dim3A_700 = vector.broadcast %broadcast_in_dim3A_699 : i32 to vector<16xi32>
      %slice3A_701 = vector.extract_strided_slice %and3A_21 {offsets = [13], sizes = [1], strides = [1]} : vector<16xi32> to vector<1xi32>
      %squeeze3A_702 = vector.extract %slice3A_701[0] : i32 from vector<1xi32>
      %broadcast_in_dim3A_703 = vector.broadcast %squeeze3A_702 : i32 to vector<16xi32>
      %mul3A_704 = arith.constant 16 : i32
      %mul3A_705 = arith.muli %scan3A_11, %mul3A_704 : i32
      %add3A_706 = arith.constant 13 : i32
      %add3A_707 = arith.addi %mul3A_705, %add3A_706 : i32
      %broadcast_in_dim3A_708 = vector.broadcast %add3A_707 : i32 to vector<16xi32>
      %gather3A_709 = tpu.vector_load_idx %arg6[%broadcast_in_dim3A_700, %iota3A, %broadcast_in_dim3A_703] : memref<16x32x128xf32, #tpu.memory_space<vmem>>[vector<16xi32>, vector<16xi32>, vector<16xi32>], vector<16xf32>,
      %gather3A_710 = tpu.vector_load_idx %arg6[%broadcast_in_dim3A_700, %add3A_5, %broadcast_in_dim3A_703] : memref<16x32x128xf32, #tpu.memory_space<vmem>>[vector<16xi32>, vector<16xi32>, vector<16xi32>], vector<16xf32>,
      tpu.vector_store_idx %arg7[%iota3A, %broadcast_in_dim3A_708], %gather3A_709 : memref<32x512xf32, #tpu.memory_space<vmem>>[vector<16xi32>, vector<16xi32>], vector<16xf32>,
      tpu.vector_store_idx %arg7[%add3A_5, %broadcast_in_dim3A_708], %gather3A_710 : memref<32x512xf32, #tpu.memory_space<vmem>>[vector<16xi32>, vector<16xi32>], vector<16xf32>,
      %broadcast_in_dim3A_711 = arith.constant 14 : i32
      %broadcast_in_dim3A_712 = vector.broadcast %broadcast_in_dim3A_711 : i32 to vector<16xi32>
      %slice3A_713 = vector.extract_strided_slice %and3A_21 {offsets = [14], sizes = [1], strides = [1]} : vector<16xi32> to vector<1xi32>
      %squeeze3A_714 = vector.extract %slice3A_713[0] : i32 from vector<1xi32>
      %broadcast_in_dim3A_715 = vector.broadcast %squeeze3A_714 : i32 to vector<16xi32>
      %mul3A_716 = arith.constant 16 : i32
      %mul3A_717 = arith.muli %scan3A_11, %mul3A_716 : i32
      %add3A_718 = arith.constant 14 : i32
      %add3A_719 = arith.addi %mul3A_717, %add3A_718 : i32
      %broadcast_in_dim3A_720 = vector.broadcast %add3A_719 : i32 to vector<16xi32>
      %gather3A_721 = tpu.vector_load_idx %arg6[%broadcast_in_dim3A_712, %iota3A, %broadcast_in_dim3A_715] : memref<16x32x128xf32, #tpu.memory_space<vmem>>[vector<16xi32>, vector<16xi32>, vector<16xi32>], vector<16xf32>,
      %gather3A_722 = tpu.vector_load_idx %arg6[%broadcast_in_dim3A_712, %add3A_5, %broadcast_in_dim3A_715] : memref<16x32x128xf32, #tpu.memory_space<vmem>>[vector<16xi32>, vector<16xi32>, vector<16xi32>], vector<16xf32>,
      tpu.vector_store_idx %arg7[%iota3A, %broadcast_in_dim3A_720], %gather3A_721 : memref<32x512xf32, #tpu.memory_space<vmem>>[vector<16xi32>, vector<16xi32>], vector<16xf32>,
      tpu.vector_store_idx %arg7[%add3A_5, %broadcast_in_dim3A_720], %gather3A_722 : memref<32x512xf32, #tpu.memory_space<vmem>>[vector<16xi32>, vector<16xi32>], vector<16xf32>,
      %broadcast_in_dim3A_723 = arith.constant 15 : i32
      %broadcast_in_dim3A_724 = vector.broadcast %broadcast_in_dim3A_723 : i32 to vector<16xi32>
      %slice3A_725 = vector.extract_strided_slice %and3A_21 {offsets = [15], sizes = [1], strides = [1]} : vector<16xi32> to vector<1xi32>
      %squeeze3A_726 = vector.extract %slice3A_725[0] : i32 from vector<1xi32>
      %broadcast_in_dim3A_727 = vector.broadcast %squeeze3A_726 : i32 to vector<16xi32>
      %mul3A_728 = arith.constant 16 : i32
      %mul3A_729 = arith.muli %scan3A_11, %mul3A_728 : i32
      %add3A_730 = arith.constant 15 : i32
      %add3A_731 = arith.addi %mul3A_729, %add3A_730 : i32
      %broadcast_in_dim3A_732 = vector.broadcast %add3A_731 : i32 to vector<16xi32>
      %gather3A_733 = tpu.vector_load_idx %arg6[%broadcast_in_dim3A_724, %iota3A, %broadcast_in_dim3A_727] : memref<16x32x128xf32, #tpu.memory_space<vmem>>[vector<16xi32>, vector<16xi32>, vector<16xi32>], vector<16xf32>,
      %gather3A_734 = tpu.vector_load_idx %arg6[%broadcast_in_dim3A_724, %add3A_5, %broadcast_in_dim3A_727] : memref<16x32x128xf32, #tpu.memory_space<vmem>>[vector<16xi32>, vector<16xi32>, vector<16xi32>], vector<16xf32>,
      tpu.vector_store_idx %arg7[%iota3A, %broadcast_in_dim3A_732], %gather3A_733 : memref<32x512xf32, #tpu.memory_space<vmem>>[vector<16xi32>, vector<16xi32>], vector<16xf32>,
      tpu.vector_store_idx %arg7[%add3A_5, %broadcast_in_dim3A_732], %gather3A_734 : memref<32x512xf32, #tpu.memory_space<vmem>>[vector<16xi32>, vector<16xi32>], vector<16xf32>,
    }
    %scan3A_10 = arith.constant 32 : i32
    "tpu.region"() ({
      %run_scoped3A = tpu.sem_alloc : memref<!tpu.dma_semaphore, #tpu.memory_space<semaphore_mem>>
      %dma_start3A = arith.constant 0 : i32
      %dma_start3A_11 = tpu.memref_slice %arg4[%dma_start3A, %mul3A_2] : memref<32x16384xf32, #tpu.memory_space<hbm>> -> memref<32x512xf32, #tpu.memory_space<hbm>>
      %dma_start3A_12 = arith.constant 0 : i32
      %dma_start3A_13 = tpu.memref_slice %arg4[%dma_start3A_12, %mul3A_2] : memref<32x16384xf32, #tpu.memory_space<hbm>> -> memref<32x512xf32, #tpu.memory_space<hbm>>
      tpu.enqueue_dma source(%arg7 : memref<32x512xf32, #tpu.memory_space<vmem>>) target(%dma_start3A_13 : memref<32x512xf32, #tpu.memory_space<hbm>>) target_semaphore(%run_scoped3A : memref<!tpu.dma_semaphore, #tpu.memory_space<semaphore_mem>>)
      %dma_wait3A = arith.constant 0 : i32
      %dma_wait3A_14 = tpu.memref_slice %arg4[%dma_wait3A, %mul3A_2] : memref<32x16384xf32, #tpu.memory_space<hbm>> -> memref<32x512xf32, #tpu.memory_space<hbm>>
      %dma_wait3A_15 = arith.constant 0 : i32
      %dma_wait3A_16 = tpu.memref_slice %arg4[%dma_wait3A_15, %mul3A_2] : memref<32x16384xf32, #tpu.memory_space<hbm>> -> memref<32x512xf32, #tpu.memory_space<hbm>>
      tpu.wait_dma2 semaphore(%run_scoped3A : memref<!tpu.dma_semaphore, #tpu.memory_space<semaphore_mem>>) src(%arg7 : memref<32x512xf32, #tpu.memory_space<vmem>>) dst(%dma_wait3A_16 : memref<32x512xf32, #tpu.memory_space<hbm>>)
      tpu.yield
    }) : () -> ()
    return
  }
}

</mosaic_0001>

<sc_bundles>
// kernel: kernel.3.cloned.1.call-start
scs
__scs_entry_jumppad:
0x0: {  	(pc) =	sbr.rel $0x88, $3  }
0x1: {  	(tag) =	ssettag $0x0;
	lr =	simm.s32 $0x1  }
0x2: {  	[smem:$0x3F9F] =	sst lr;
	_ =	strace $0xD0000000  }
0x3: {  	_ = 	snop  }
0x4: {  	_ = 	snop  }
0x5: {  	_ = 	snop  }
0x6: {  	_ = 	snop  }
0x7: {  	_ = 	snop  }
__scs_overlays_trampoline_lowered:
0x8: {  	[smem:$0x3FAE] =	sst s0  }
0x9: {  	[smem:$0x3FAF] =	sst s1  }
0xa: {  	[smem:$0x3FB0] =	sst s2  }
0xb: {  	[smem:$0x3FB1] =	sst s3  }
0xc: {  	[smem:$0x3FB2] =	sst s4  }
0xd: {  	[smem:$0x3FB3] =	sst s5  }
0xe: {  	[smem:$0x3FB4] =	sst s6  }
0xf: {  	[smem:$0x3FB5] =	sst s7  }
0x10: {  	[smem:$0x3FB6] =	sst s8  }
0x11: {  	[smem:$0x3FB7] =	sst s9;
	s0 =	simm.s32 @!p0 $0x0  }
0x12: {  	s1 =	sld [smem:$0x3F9D];
	s0 =	simm.s32 @p0 $0x1  }
0x13: {  	[smem:$0x3FB8] =	sst s0;
	s0 =	simm.s32 @!p1 $0x0  }
0x14: {  	s2 =	sld [smem:$0x3F9C];
	s0 =	simm.s32 @p1 $0x1  }
0x15: {  	[smem:$0x3FB9] =	sst s0;
	s0 =	simm.s32 @!p2 $0x0  }
0x16: {  	s3 =	sld [smem:$0x3FDB];
	s0 =	simm.s32 @p2 $0x1  }
0x17: {  	s4 =	simm.s32 $0x1BF5;
	[smem:$0x3FBB] =	sst s0  }
0x18: {  	s0 =	sld [smem:$0x3F9E];
	_ =	swait.ge [sflag:s4], $0x0  }
0x19: {  	s7 =	sld [smem:$0x3F9F]  }
0x1a: {  	s8 =	sadd.s32 $0xFFFFE003, lr  }
0x1b: {  	s9 =	sadd.s32 $0xFFFFFEF7, lr;
	s5 =	simm.s32 $0xFFFFFFFF;
	p2 =	slt.u32 s8, $0xFFFFF086  }
0x1c: {  	p1 =	slt.u32 s9, $0xF7A;
	s5 =	simm.s32 @!p2 $0x0  }
0x1d: {  	s5 =	simm.s32 @p1 $0x1;
	p0 =	seq.s32 s7, s2  }
0x1e: {  	s7 =	smul.u32 @!p0 $0xF7A, s2;
	p2 =	seq.s32 @!p0 s5, $0x0  }
0x1f: {  	s9 =	smul.u32 $0xF7A, s1;
	s8 =	simm.s32 @!p0 $0x1BF5;
	p2 =	por !p2, p0  }
0x20: {  	[sflag:s8] =	ssyncset.s32 @!p0 $0xFFFFF086;
	s6 =	sadd.s32 @!p0 s3, s7;
	s7 =	simm.s32 @!p0 $0x108  }
0x21: {  	s3 =	sadd.s32 s3, s9;
	s6 =	sadd.s32 @!p0 $0x88, s6;
	s7 =	simm.s32 @p2 $0x1082  }
0x22: {  	[simem:s7], [sflag:s8] =	dma.local @!p0 [hbm:s6], $0xF7A  }
0x23: {  	s9 =	sor.u32 $0xD0000000, s2;
	s6 =	simm.s32 $0x108;
	_ =	swait.ge @!p0 [sflag:s8], $0x0  }
0x24: {  	s3 =	sadd.s32 $0x88, s3;
	s6 =	simm.s32 @!p1 $0x1082;
	[sflag:s4] =	ssyncset.s32 $0xFFFFF086  }
0x25: {  	[simem:s6], [sflag:s4] =	dma.local [hbm:s3], $0xF7A  }
0x26: {  	[smem:$0x3F9F] =	sst s1;
	(tag) =	ssettag s2;
	_ =	strace s9  }
0x27: {  	s1 =	sld [smem:$0x3FAF]  }
0x28: {  	s2 =	sld [smem:$0x3FB0]  }
0x29: {  	s4 =	sld [smem:$0x3FB2]  }
0x2a: {  	p0 =	seq.s32 s5, $0x0;
	s5 =	sld [smem:$0x3FB3]  }
0x2b: {  	s6 =	sld [smem:$0x3FB4]  }
0x2c: {  	s7 =	sld [smem:$0x3FB5]  }
0x2d: {  	s3 =	simm.s32 $0x108;
	s8 =	sld [smem:$0x3FB6]  }
0x2e: {  	s3 =	simm.s32 @!p0 $0x1082;
	s9 =	sld [smem:$0x3FB7]  }
0x2f: {  	lr =	sadd.s32 s0, s3;
	s0 =	sld [smem:$0x3FAE]  }
0x30: {  	s3 =	sld [smem:$0x3FB1]  }
0x31: {  	[smem:$0x3FBA] =	sst s10  }
0x32: {  	s10 =	sld [smem:$0x3FB8];
	_ =	sdelay $0x3  }
0x33: {  	p0 =	seq.s32 s10, $0x1;
	s10 =	sld [smem:$0x3FBA];
	_ =	sdelay $0x3  }
0x34: {  	[smem:$0x3FBA] =	sst s10  }
0x35: {  	s10 =	sld [smem:$0x3FB9];
	_ =	sdelay $0x3  }
0x36: {  	p1 =	seq.s32 s10, $0x1;
	s10 =	sld [smem:$0x3FBA];
	_ =	sdelay $0x3  }
0x37: {  	[smem:$0x3FBA] =	sst s10  }
0x38: {  	s10 =	sld [smem:$0x3FBB]  }
0x39: {  	_ = 	snop;
	(pc) =	sbr.ind lr, $3  }
0x3a: {  	_ = 	snop  }
0x3b: {  	_ = 	snop  }
0x3c: {  	p2 =	seq.s32 s10, $0x1;
	s10 =	sld [smem:$0x3FBA]  }
0x3d: {  	_ =	shalt  }
0x3e: {  	_ =	shalt  }
0x3f: {  	_ =	shalt  }
0x40: {  	_ =	shalt  }
0x41: {  	_ =	shalt  }
0x42: {  	_ =	shalt  }
0x43: {  	_ =	shalt  }
0x44: {  	_ =	shalt  }
0x45: {  	_ =	shalt  }
0x46: {  	_ =	shalt  }
0x47: {  	_ =	shalt  }
0x48: {  	_ =	shalt  }
0x49: {  	_ =	shalt  }
0x4a: {  	_ =	shalt  }
0x4b: {  	_ =	shalt  }
0x4c: {  	_ =	shalt  }
0x4d: {  	_ =	shalt  }
0x4e: {  	_ =	shalt  }
0x4f: {  	_ =	shalt  }
0x50: {  	_ =	shalt  }
0x51: {  	_ =	shalt  }
0x52: {  	_ =	shalt  }
0x53: {  	_ =	shalt  }
0x54: {  	_ =	shalt  }
0x55: {  	_ =	shalt  }
0x56: {  	_ =	shalt  }
0x57: {  	_ =	shalt  }
0x58: {  	_ =	shalt  }
0x59: {  	_ =	shalt  }
0x5a: {  	_ =	shalt  }
0x5b: {  	_ =	shalt  }
0x5c: {  	_ =	shalt  }
0x5d: {  	_ =	shalt  }
0x5e: {  	_ =	shalt  }
0x5f: {  	_ =	shalt  }
0x60: {  	_ =	shalt  }
0x61: {  	_ =	shalt  }
0x62: {  	_ =	shalt  }
0x63: {  	_ =	shalt  }
0x64: {  	_ =	shalt  }
0x65: {  	_ =	shalt  }
0x66: {  	_ =	shalt  }
0x67: {  	_ =	shalt  }
0x68: {  	_ =	shalt  }
0x69: {  	_ =	shalt  }
0x6a: {  	_ =	shalt  }
0x6b: {  	_ =	shalt  }
0x6c: {  	_ =	shalt  }
0x6d: {  	_ =	shalt  }
0x6e: {  	_ =	shalt  }
0x6f: {  	_ =	shalt  }
0x70: {  	_ =	shalt  }
0x71: {  	_ =	shalt  }
0x72: {  	_ =	shalt  }
0x73: {  	_ =	shalt  }
0x74: {  	_ =	shalt  }
0x75: {  	_ =	shalt  }
0x76: {  	_ =	shalt  }
0x77: {  	_ =	shalt  }
0x78: {  	_ =	shalt  }
0x79: {  	_ =	shalt  }
0x7a: {  	_ =	shalt  }
0x7b: {  	_ =	shalt  }
0x7c: {  	_ =	shalt  }
0x7d: {  	_ =	shalt  }
0x7e: {  	_ =	shalt  }
0x7f: {  	_ =	shalt  }
0x80: {  	_ =	shalt  }
0x81: {  	_ =	shalt  }
0x82: {  	_ =	shalt  }
0x83: {  	_ =	shalt  }
0x84: {  	_ =	shalt  }
0x85: {  	_ =	shalt  }
0x86: {  	_ =	shalt  }
0x87: {  	_ =	shalt  }
.Lfunc_end0:
.L_simem_size_0:
called_computation_lowered:
.L_overlay_start_0:
0x88: {  	s2 =	sld [smem:$0x3FD9]  }
0x89: {  	s3 =	sld [smem:$0x3FFE];
	_ =	sdelay $0x1  }
0x8a: {  	s1 =	srdreg.scid  }
0x8b: {  	s0 =	sand.u32 $0x1, s1  }
0x8c: {  	s18 =	sshll.u32 s0, $0xA;
	s2 =	sadd.s32 s3, s2  }
0x8d: {  	s2 =	sadd.s32 s2, s18  }
0x8e: {  	[smem:$0x3FC6] =	sst s2  }
0x8f: {  	_ = 	snop  }
0x90: {  	s2 =	sld [smem:$0x3FC9]  }
0x91: {  	s19 =	sld [smem:$0x3FC8]  }
0x92: {  	s4 =	sld [smem:$0x3FD0];
	(tm) =	ssettm $0x1  }
0x93: {  	s5 =	sld [smem:$0x3FFB];
	_ =	sdelay $0x3  }
0x94: {  	_ =	strace s5  }
0x95: {  	s5 =	sld [smem:$0x3FFC];
	_ =	sdelay $0x3  }
0x96: {  	_ =	strace s5  }
0x97: {  	s5 =	sld [smem:$0x3FFD];
	_ =	sdelay $0x3  }
0x98: {  	_ =	strace s5  }
0x99: {  	_ =	strace $0x8FFFFFFF  }
0x9a: {  	s20 =	sld [smem:$0x3FDB];
	_ =	sdelay $0x1  }
0x9b: {  	s6 =	simm.s32 $_scs_section_size  }
0x9c: {  	s7 =	simm.s32 $_size__tile_overlayer_lowered;
	s8 =	simm.s32 $_tile_overlayer_lowered  }
0x9d: {  	s23 =	simm.s32 $0x1BFF;
	s22 =	sshll.u32 s8, $0x1;
	s5 =	sadd.s32 s6, s20  }
0x9e: {  	s9 =	simm.s32 $0x0;
	s21 =	sshll.u32 s7, $0x1;
	s7 =	sadd.s32 s22, s5  }
0x9f: {  	[timem:s9], [sflag:s23] =	dma.local [hbm:s7], s21  }
0xa0: {  	_ =	swait.ge [sflag:s23], s21  }
0xa1: {  	s6 =	ssub.s32 $0x0, s21;
	[sflag:s23] =	ssyncset.done $0x0  }
0xa2: {  	[sflag:s23] =	ssyncadd.s32 s6;
	_ =	sdelay $0x1  }
0xa3: {  	s24 =	simm.s32 $0x1B8B  }
0xa4: {  	_ =	swait.ge [sflag:s24], $0x1  }
0xa5: {  	[sflag:s24] =	ssyncset.done $0x0  }
0xa6: {  	s25 =	simm.s32 $0x1B8E;
	[sflag:s24] =	ssyncadd.s32 $0xFFFFFFFF  }
0xa7: {  	s26 =	simm.s32 $execute0_lowered;
	[smem:$0x3FD2] =	sst s25  }
0xa8: {  	s6 =	sshll.u32 s26, $0x1;
	_ =	strace $0x80000046;
	[dreg:$0x1] =	wrdreg $0xFFFFFFFF  }
0xa9: {  	s28 =	simm.s32 $_size_execute0_lowered;
	s5 =	sadd.s32 s5, s6;
	[dreg:$0x0] =	wrdreg $0x0  }
0xaa: {  	s6 =	sshll.u32 s28, $0x1;
	[dreg:$0x2] =	wrdreg s5  }
0xab: {  	[dreg:$0x3] =	wrdreg s6  }
0xac: {  	[dreg:$0x4] =	wrdreg $0xC0  }
0xad: {  	_ =	task [dreg:s9], $0x5FFFF  }
0xae: {  	[dreg:$0x1] =	wrdreg $0xFFFFFFFF  }
0xaf: {  	[dreg:$0x0] =	wrdreg $0x60  }
0xb0: {  	[dreg:$0x2] =	wrdreg s2  }
0xb1: {  	[dreg:$0x3] =	wrdreg s19  }
0xb2: {  	[dreg:$0x4] =	wrdreg s4  }
0xb3: {  	[dreg:$0x5] =	wrdreg $0x9  }
0xb4: {  	_ =	task.clear_ibuf [dreg:s9], $0x6FFFF;
	_ =	strace $0x90000046  }
0xb5: {  	s29 =	simm.s32 $0x9;
	_ =	strace $0x80000048  }
0xb6: {  	_ =	swait.ge [sflag:s29], $0x1  }
0xb7: {  	[sflag:s29] =	ssyncadd.s32 $0xFFFFFFFF  }
0xb8: {  	_ =	strace $0x90000048  }
0xb9: {  	_ =	sfence  }
0xba: {  	s30 =	sld [smem:$0x0];
	_ =	sdelay $0x2  }
0xbb: {  	s31 =	sshll.u32 s1, $0xD;
	s1 =	sshrl.u32 s1, $0x2  }
0xbc: {  	s3 =	sand.u32 $0x4000, s31;
	s1 =	sadd.s32 s1, s30  }
0xbd: {  	s0 =	sor.u32 s3, s0;
	s1 =	sshll.u32 s1, $0x11  }
0xbe: {  	s0 =	sor.u32 s1, s0  }
0xbf: {  	s0 =	sadd.s32 $0x8F2B, s0  }
0xc0: {  	[sflag:s0] =	ssyncadd.remote.s32 $0x1  }
0xc1: {  	_ =	sfence.sel $0xFFFF  }
0xc2: {  	[dreg:$0x0] =	wrdreg $0xFFFFFFFF;
	(pc) =	sbr.abs _section_cstart, $3  }
0xc3: {  	[dreg:$0x1] =	wrdreg $0xFFFFFFFF  }
0xc4: {  	_ =	task.clear_ibuf [dreg:s9], $0x2FFFF;
	_ =	strace $0x9FFFFFFF  }
0xc5: {  	(tm) =	ssettm $0x7FFFFFFF  }
tec
execute0_lowered:
.L_overlay_start_1:
0x0: {  	(tag) =	ssettag $0x1  }
0x1: {  	v0 =	vlaneseq.u32;
	v1 =	vimm.s32 $0x1380  }
0x2: {  	vm0 =	vcmask $0x300;
	v2 =	vimm.s32 $0x3380;
	vm1 =	vcmask $0x704  }
0x3: {  	vm15 =	vcmask $0xB08;
	vm4 =	vcmask $0xF0C;
	vm5 =	vcmask $0x1310  }
0x4: {  	vm6 =	vcmask $0x1714;
	vm7 =	vcmask $0x1B18;
	vm8 =	vcmask $0x1F1C  }
0x5: {  	vm9 =	vcmask $0x2320;
	vm10 =	vcmask $0x2724;
	vm11 =	vcmask $0x2B28  }
0x6: {  	vm12 =	vcmask $0x2F2C;
	vm13 =	vcmask $0x3330;
	v1 =	vsel vm0, $0x0, v1  }
0x7: {  	s4 =	rddreg [dreg:$0x0];
	v0 =	vmul.u32 $0x80, v0;
	v2 =	vsel vm0, $0x2000, v2;
	v1 =	vsel vm1, $0x80, v1  }
0x8: {  	s0 =	rddreg [dreg:$0x1];
	vm14 =	vcmask $0x3734;
	v2 =	vsel vm1, $0x2080, v2;
	v1 =	vsel vm15, $0x100, v1  }
0x9: {  	s5 =	rddreg [dreg:$0x2];
	s1 =	simm.s32 $0x0;
	v2 =	vsel vm15, $0x2100, v2;
	vm15 =	vcmask $0x3B38;
	v5 =	vor.u32 $0x1800, v0  }
0xa: {  	s7 =	simm.s32 $0x1200;
	[smem:$0x7FF] =	sst s1;
	v6 =	vor.u32 $0x2000, v0;
	v7 =	vor.u32 $0x2800, v0;
	v8 =	vor.u32 $0x3000, v0  }
0xb: {  	s18 =	simm.s32 $0x2200;
	_ =	strace $0x80000047;
	[dreg:$0x4] =	wrdreg s7;
	v9 =	vor.u32 $0x3800, v0;
	v10 =	vor.u32 $0x4000, v0;
	v11 =	vor.u32 $0x4800, v0  }
0xc: {  	s19 =	simm.s32 $0x3200;
	[dreg:$0x5] =	wrdreg s18;
	v12 =	vor.u32 $0x5000, v0;
	v13 =	vor.u32 $0x5800, v0;
	v14 =	vor.u32 $0x6000, v0  }
0xd: {  	s6 =	srdreg.scid;
	s20 =	simm.s32 $0x4200;
	[dreg:$0x6] =	wrdreg s19;
	v15 =	vor.u32 $0x6800, v0;
	v16 =	vor.u32 $0x7000, v0;
	v17 =	vor.u32 $0x7800, v0  }
0xe: {  	s17 =	stileid.u32;
	s22 =	simm.s32 $0x5200;
	[dreg:$0x7] =	wrdreg s20;
	v18 =	vor.u32 $0x8000, v0;
	v19 =	vor.u32 $0x8800, v0;
	v20 =	vor.u32 $0x9000, v0  }
0xf: {  	s23 =	simm.s32 $0x6200;
	s24 =	simm.s32 $0x7200;
	[dreg:$0x8] =	wrdreg s22;
	v21 =	vor.u32 $0x9800, v0;
	v22 =	vor.u32 $0xA000, v0;
	v23 =	vor.u32 $0xA800, v0  }
0x10: {  	s25 =	simm.s32 $0x8200;
	s26 =	simm.s32 $0x9200;
	[dreg:$0x9] =	wrdreg s23;
	v24 =	vor.u32 $0xB000, v0;
	v1 =	vsel vm4, $0x180, v1;
	v2 =	vsel vm4, $0x2180, v2  }
0x11: {  	s28 =	simm.s32 $0xA200;
	s29 =	simm.s32 $0xB200;
	[dreg:$0xa] =	wrdreg s24;
	v25 =	vor.u32 $0xB800, v0;
	v1 =	vsel vm5, $0x200, v1;
	v2 =	vsel vm5, $0x2200, v2  }
0x12: {  	s30 =	simm.s32 $0xC200;
	s10 =	simm.s32 $0xD200;
	[dreg:$0xb] =	wrdreg s25;
	v26 =	vor.u32 $0xC000, v0;
	v1 =	vsel vm6, $0x280, v1;
	v2 =	vsel vm6, $0x2280, v2  }
0x13: {  	s11 =	simm.s32 $0xE200;
	s31 =	simm.s32 $0xF200;
	[dreg:$0xc] =	wrdreg s26;
	v27 =	vor.u32 $0xC800, v0;
	v1 =	vsel vm7, $0x300, v1;
	v2 =	vsel vm7, $0x2300, v2  }
0x14: {  	s12 =	simm.s32 $0x10200;
	s15 =	simm.s32 $0x0;
	[dreg:$0xd] =	wrdreg s28;
	v28 =	vor.u32 $0xD000, v0;
	v1 =	vsel vm8, $0x380, v1;
	v2 =	vsel vm8, $0x2380, v2  }
0x15: {  	s6 =	sand.u32 $0x1, s6;
	s21 =	sshll.u32 s17, $0xA;
	[dreg:$0xe] =	wrdreg s29;
	v29 =	vor.u32 $0xD800, v0;
	v1 =	vsel vm9, $0x1000, v1;
	v2 =	vsel vm9, $0x3000, v2  }
0x16: {  	s8 =	ssub.s32 $0x2, s6;
	s6 =	sshll.u32 s6, $0x9;
	[dreg:$0xf] =	wrdreg s30;
	v30 =	vor.u32 $0xE000, v0;
	v1 =	vsel vm10, $0x1080, v1;
	v2 =	vsel vm10, $0x3080, v2  }
0x17: {  	s7 =	simm.s32 $0x2;
	[dreg:$0x10] =	wrdreg s10;
	s10 =	simm.s32 $0x200;
	v31 =	vor.u32 $0xE800, v0;
	v1 =	vsel vm11, $0x1100, v1;
	v2 =	vsel vm11, $0x3100, v2  }
0x18: {  	[dreg:$0x11] =	wrdreg s11;
	s9 =	sshrl.u32 s8, $0x1;
	s6 =	sor.u32 s6, s21;
	v32 =	vor.u32 $0xF000, v0;
	v1 =	vsel vm12, $0x1180, v1;
	v2 =	vsel vm12, $0x3180, v2  }
0x19: {  	[dreg:$0x12] =	wrdreg s31;
	v33 =	vor.u32 $0xF800, v0;
	s8 =	ssub.s32 s8, s9;
	s9 =	sshrl.u32 s6, $0x3;
	v1 =	vsel vm13, $0x1200, v1;
	v2 =	vsel vm13, $0x3200, v2  }
0x1a: {  	s11 =	simm.s32 $0x1;
	s5 =	sadd.s32 s5, s6;
	s4 =	sadd.s32 s4, s9;
	v3 =	vsel vm14, $0x1280, v1;
	v4 =	vsel vm14, $0x3280, v2;
	v1 =	vor.u32 $0x800, v0  }
0x1b: {  	s6 =	smax.u32 s8, $0x1;
	s8 =	simm.s32 $0x400;
	s9 =	simm.s32 $0x7A1400;
	v2 =	vsel vm15, $0x1300, v3;
	v3 =	vsel vm15, $0x3300, v4;
	v4 =	vor.u32 $0x1000, v0  }
.LBB2_1:
0x1c: {  	s1 =	simm.s32 $0x0  }
0x1d: {  	[tilespmem:s1], [sflag:$0x2] =	stream.linear.gather [hbm4b:s4+s1], $0x200, $0x38;
	[tilespmem:$0x14200] =	vst v63  }
0x1e: {  	_ =	swait.ge [sflag:s7], $0x200  }
0x1f: {  	[sflag:s7] =	ssyncset.done $0x0  }
0x20: {  	[sflag:s7] =	ssyncadd.s32 $0xFFFFFE00  }
0x21: {  	v34 =	vld [tilespmem:s1+$0x0];
	_ =	sdelay $0x4  }
0x22: {  	v34 =	vadd.s32 $0x1, v34  }
0x23: {  	v35 =	vshrl.u32 v34, $0x7  }
0x24: {  	v35 =	vshll.u32 v35, $0x7  }
0x25: {  	(v2sf) =	vpush v35, $0x0;
	_ =	sdelay $0x1  }
0x26: {  	(v2sf) =	vpush v35, $0x1;
	_ =	sdelay $0x1  }
0x27: {  	(v2sf) =	vpush v35, $0x2;
	_ =	sdelay $0x2  }
0x28: {  	(v2sf) =	vpush v35, $0x3;
	_ =	sdelay $0x7  }
0x29: {  	s16 =	spop (v2sf);
	(v2sf) =	vpush v35, $0x4;
	_ =	sdelay $0x1  }
0x2a: {  	s17 =	spop (v2sf);
	(v2sf) =	vpush v35, $0x5;
	_ =	sdelay $0x1  }
0x2b: {  	s25 =	spop (v2sf);
	(v2sf) =	vpush v35, $0x6;
	_ =	sdelay $0x2  }
0x2c: {  	s16 =	sand.u32 $0x1FFFFF80, s16;
	s28 =	spop (v2sf);
	(v2sf) =	vpush v35, $0x7  }
0x2d: {  	s16 =	sadd.s32 s0, s16;
	s17 =	sand.u32 $0x1FFFFF80, s17  }
0x2e: {  	[tilespmem:s10], [sflag:$0x1] =	stream.strided.gather [hbm4b:s16+s8], $0x1000, s9, s8, $0x38;
	[tilespmem:$0x14200] =	vst v63  }
0x2f: {  	s23 =	rddreg [dreg:$0x4];
	s17 =	sadd.s32 s0, s17  }
0x30: {  	[tilespmem:s23], [sflag:$0x1] =	stream.strided.gather [hbm4b:s17+s8], $0x1000, s9, s8, $0x38;
	[tilespmem:$0x14200] =	vst v63  }
0x31: {  	s17 =	sand.u32 $0x1FFFFF80, s25  }
0x32: {  	s24 =	rddreg [dreg:$0x5];
	s17 =	sadd.s32 s0, s17  }
0x33: {  	[tilespmem:s24], [sflag:$0x1] =	stream.strided.gather [hbm4b:s17+s8], $0x1000, s9, s8, $0x38;
	[tilespmem:$0x14200] =	vst v63  }
0x34: {  	s30 =	spop (v2sf);
	(v2sf) =	vpush v35, $0x8  }
0x35: {  	s17 =	sand.u32 $0x1FFFFF80, s28  }
0x36: {  	s26 =	rddreg [dreg:$0x6];
	s17 =	sadd.s32 s0, s17;
	s1 =	spop (v2sf);
	(v2sf) =	vpush v35, $0x9  }
0x37: {  	[tilespmem:s26], [sflag:$0x1] =	stream.strided.gather [hbm4b:s17+s8], $0x1000, s9, s8, $0x38;
	[tilespmem:$0x14200] =	vst v63  }
0x38: {  	s17 =	sand.u32 $0x1FFFFF80, s30;
	s3 =	spop (v2sf);
	(v2sf) =	vpush v35, $0xA  }
0x39: {  	s29 =	rddreg [dreg:$0x7];
	s17 =	sadd.s32 s0, s17  }
0x3a: {  	[tilespmem:s29], [sflag:$0x1] =	stream.strided.gather [hbm4b:s17+s8], $0x1000, s9, s8, $0x38;
	[tilespmem:$0x14200] =	vst v63  }
0x3b: {  	s14 =	spop (v2sf);
	(v2sf) =	vpush v35, $0xB  }
0x3c: {  	s17 =	sand.u32 $0x1FFFFF80, s1  }
0x3d: {  	s31 =	rddreg [dreg:$0x8];
	s17 =	sadd.s32 s0, s17  }
0x3e: {  	[tilespmem:s31], [sflag:$0x1] =	stream.strided.gather [hbm4b:s17+s8], $0x1000, s9, s8, $0x38;
	[tilespmem:$0x14200] =	vst v63  }
0x3f: {  	s17 =	sand.u32 $0x1FFFFF80, s3  }
0x40: {  	s2 =	rddreg [dreg:$0x9];
	s17 =	sadd.s32 s0, s17  }
0x41: {  	[tilespmem:s2], [sflag:$0x1] =	stream.strided.gather [hbm4b:s17+s8], $0x1000, s9, s8, $0x38;
	[tilespmem:$0x14200] =	vst v63  }
0x42: {  	s17 =	sand.u32 $0x1FFFFF80, s14  }
0x43: {  	s13 =	rddreg [dreg:$0xa];
	s17 =	sadd.s32 s0, s17;
	s19 =	spop (v2sf);
	(v2sf) =	vpush v35, $0xC  }
0x44: {  	[tilespmem:s13], [sflag:$0x1] =	stream.strided.gather [hbm4b:s17+s8], $0x1000, s9, s8, $0x38;
	[tilespmem:$0x14200] =	vst v63  }
0x45: {  	s21 =	spop (v2sf);
	(v2sf) =	vpush v35, $0xD  }
0x46: {  	s17 =	sand.u32 $0x1FFFFF80, s19  }
0x47: {  	s18 =	rddreg [dreg:$0xb];
	s17 =	sadd.s32 s0, s17;
	s23 =	spop (v2sf)  }
0x48: {  	(v2sf) =	vpush v35, $0xE;
	[tilespmem:s18], [sflag:$0x1] =	stream.strided.gather [hbm4b:s17+s8], $0x1000, s9, s8, $0x38;
	[tilespmem:$0x14200] =	vst v63  }
0x49: {  	s17 =	sand.u32 $0x1FFFFF80, s21  }
0x4a: {  	s20 =	rddreg [dreg:$0xc];
	s25 =	spop (v2sf);
	(v2sf) =	vpush v35, $0xF;
	s17 =	sadd.s32 s0, s17  }
0x4b: {  	[tilespmem:s20], [sflag:$0x1] =	stream.strided.gather [hbm4b:s17+s8], $0x1000, s9, s8, $0x38;
	[tilespmem:$0x14200] =	vst v63  }
0x4c: {  	s17 =	sand.u32 $0x1FFFFF80, s23  }
0x4d: {  	s22 =	rddreg [dreg:$0xd];
	s17 =	sadd.s32 s0, s17  }
0x4e: {  	[tilespmem:s22], [sflag:$0x1] =	stream.strided.gather [hbm4b:s17+s8], $0x1000, s9, s8, $0x38;
	[tilespmem:$0x14200] =	vst v63  }
0x4f: {  	s17 =	sand.u32 $0x1FFFFF80, s25  }
0x50: {  	s24 =	rddreg [dreg:$0xe];
	s17 =	sadd.s32 s0, s17  }
0x51: {  	[tilespmem:s24], [sflag:$0x1] =	stream.strided.gather [hbm4b:s17+s8], $0x1000, s9, s8, $0x38;
	[tilespmem:$0x14200] =	vst v63  }
0x52: {  	s28 =	spop (v2sf)  }
0x53: {  	s17 =	sand.u32 $0x1FFFFF80, s28  }
0x54: {  	s26 =	rddreg [dreg:$0xf];
	s30 =	spop (v2sf);
	s17 =	sadd.s32 s0, s17  }
0x55: {  	[tilespmem:s26], [sflag:$0x1] =	stream.strided.gather [hbm4b:s17+s8], $0x1000, s9, s8, $0x38;
	[tilespmem:$0x14200] =	vst v63  }
0x56: {  	s17 =	sand.u32 $0x1FFFFF80, s30  }
0x57: {  	s29 =	rddreg [dreg:$0x10];
	s1 =	spop (v2sf);
	s17 =	sadd.s32 s0, s17  }
0x58: {  	[tilespmem:s29], [sflag:$0x1] =	stream.strided.gather [hbm4b:s17+s8], $0x1000, s9, s8, $0x38;
	[tilespmem:$0x14200] =	vst v63  }
0x59: {  	s2 =	spop (v2sf);
	s17 =	sand.u32 $0x1FFFFF80, s1  }
0x5a: {  	s31 =	rddreg [dreg:$0x11];
	s16 =	sand.u32 $0x1FFFFF80, s2;
	s17 =	sadd.s32 s0, s17  }
0x5b: {  	[tilespmem:s31], [sflag:$0x1] =	stream.strided.gather [hbm4b:s17+s8], $0x1000, s9, s8, $0x38;
	[tilespmem:$0x14200] =	vst v63  }
0x5c: {  	s3 =	rddreg [dreg:$0x12];
	s16 =	sadd.s32 s0, s16  }
0x5d: {  	[tilespmem:s3], [sflag:$0x1] =	stream.strided.gather [hbm4b:s16+s8], $0x1000, s9, s8, $0x38;
	[tilespmem:$0x14200] =	vst v63  }
0x5e: {  	_ =	swait.ge [sflag:s11], $0x1000  }
0x5f: {  	[sflag:s11] =	ssyncset.done $0x0  }
0x60: {  	[sflag:s11] =	ssyncadd.s32 $0xFFFFF000  }
0x61: {  	_ =	swait.ge [sflag:s11], $0x1000  }
0x62: {  	[sflag:s11] =	ssyncset.done $0x0  }
0x63: {  	[sflag:s11] =	ssyncadd.s32 $0xFFFFF000  }
0x64: {  	_ =	swait.ge [sflag:s11], $0x1000  }
0x65: {  	[sflag:s11] =	ssyncset.done $0x0  }
0x66: {  	[sflag:s11] =	ssyncadd.s32 $0xFFFFF000  }
0x67: {  	_ =	swait.ge [sflag:s11], $0x1000  }
0x68: {  	[sflag:s11] =	ssyncset.done $0x0  }
0x69: {  	[sflag:s11] =	ssyncadd.s32 $0xFFFFF000  }
0x6a: {  	_ =	swait.ge [sflag:s11], $0x1000  }
0x6b: {  	[sflag:s11] =	ssyncset.done $0x0  }
0x6c: {  	[sflag:s11] =	ssyncadd.s32 $0xFFFFF000  }
0x6d: {  	_ =	swait.ge [sflag:s11], $0x1000  }
0x6e: {  	[sflag:s11] =	ssyncset.done $0x0  }
0x6f: {  	[sflag:s11] =	ssyncadd.s32 $0xFFFFF000  }
0x70: {  	_ =	swait.ge [sflag:s11], $0x1000  }
0x71: {  	[sflag:s11] =	ssyncset.done $0x0  }
0x72: {  	[sflag:s11] =	ssyncadd.s32 $0xFFFFF000  }
0x73: {  	_ =	swait.ge [sflag:s11], $0x1000  }
0x74: {  	[sflag:s11] =	ssyncset.done $0x0  }
0x75: {  	[sflag:s11] =	ssyncadd.s32 $0xFFFFF000  }
0x76: {  	_ =	swait.ge [sflag:s11], $0x1000  }
0x77: {  	[sflag:s11] =	ssyncset.done $0x0  }
0x78: {  	[sflag:s11] =	ssyncadd.s32 $0xFFFFF000  }
0x79: {  	_ =	swait.ge [sflag:s11], $0x1000  }
0x7a: {  	[sflag:s11] =	ssyncset.done $0x0  }
0x7b: {  	[sflag:s11] =	ssyncadd.s32 $0xFFFFF000  }
0x7c: {  	_ =	swait.ge [sflag:s11], $0x1000  }
0x7d: {  	[sflag:s11] =	ssyncset.done $0x0  }
0x7e: {  	[sflag:s11] =	ssyncadd.s32 $0xFFFFF000  }
0x7f: {  	_ =	swait.ge [sflag:s11], $0x1000  }
0x80: {  	[sflag:s11] =	ssyncset.done $0x0  }
0x81: {  	[sflag:s11] =	ssyncadd.s32 $0xFFFFF000  }
0x82: {  	_ =	swait.ge [sflag:s11], $0x1000  }
0x83: {  	[sflag:s11] =	ssyncset.done $0x0  }
0x84: {  	[sflag:s11] =	ssyncadd.s32 $0xFFFFF000  }
0x85: {  	_ =	swait.ge [sflag:s11], $0x1000  }
0x86: {  	v34 =	vand.u32 $0x7F, v34;
	[sflag:s11] =	ssyncset.done $0x0  }
0x87: {  	v50 =	vbroadcast v34, $0x0;
	[sflag:s11] =	ssyncadd.s32 $0xFFFFF000  }
0x88: {  	_ =	swait.ge [sflag:s11], $0x1000  }
0x89: {  	v36 =	vor.u32 v0, v50;
	s13 =	simm.s32 $0x0;
	[sflag:s11] =	ssyncset.done $0x0  }
0x8a: {  	v37 =	vmov s13;
	v35 =	vor.u32 v1, v50;
	[sflag:s11] =	ssyncadd.s32 $0xFFFFF000  }
0x8b: {  	v38 =	vshll.u32 v37, $0x3;
	_ =	swait.ge [sflag:s11], $0x1000  }
0x8c: {  	v37 =	vand.u32 $0x70, v37;
	v38 =	vand.u32 $0xC00, v38;
	[sflag:s11] =	ssyncset.done $0x0  }
0x8d: {  	v37 =	vor.u32 v37, v38;
	[sflag:s11] =	ssyncadd.s32 $0xFFFFF000  }
0x8e: {  	v51 =	vbroadcast v34, $0x1;
	v39 =	vor.u32 v2, v37;
	v36 =	vld.idx.msk [tilespmem:v36+s10+$0x0], $0xffff  }
0x8f: {  	v37 =	vor.u32 v3, v37;
	v35 =	vld.idx.msk [tilespmem:v35+s10+$0x0], $0xffff  }
0x90: {  	v40 =	vor.u32 v4, v51;
	s14 =	simm.s32 $0x1  }
0x91: {  	v41 =	vmov s14;
	v38 =	vor.u32 v5, v51  }
0x92: {  	v42 =	vshll.u32 v41, $0x3  }
0x93: {  	v52 =	vand.u32 $0x71, v41;
	v53 =	vand.u32 $0xC00, v42;
	[tilespmem:v39+s12+$0x0] =	vst.idx.msk $0xffff, v36  }
0x94: {  	v54 =	vor.u32 v52, v53;
	[tilespmem:v37+s12+$0x0] =	vst.idx.msk $0xffff, v35  }
0x95: {  	v55 =	vbroadcast v34, $0x2;
	v39 =	vor.u32 v2, v54;
	v37 =	vld.idx.msk [tilespmem:v40+s10+$0x0], $0xffff  }
0x96: {  	v35 =	vor.u32 v3, v54;
	v38 =	vld.idx.msk [tilespmem:v38+s10+$0x0], $0xffff  }
0x97: {  	v56 =	vor.u32 v6, v55;
	s17 =	simm.s32 $0x2  }
0x98: {  	v57 =	vmov s17;
	v36 =	vor.u32 v7, v55  }
0x99: {  	v58 =	vshll.u32 v57, $0x3  }
0x9a: {  	v59 =	vand.u32 $0x72, v57;
	v60 =	vand.u32 $0xC00, v58;
	[tilespmem:v39+s12+$0x0] =	vst.idx.msk $0xffff, v37  }
0x9b: {  	v61 =	vor.u32 v59, v60;
	[tilespmem:v35+s12+$0x0] =	vst.idx.msk $0xffff, v38  }
0x9c: {  	v62 =	vbroadcast v34, $0x3;
	v39 =	vor.u32 v2, v61;
	v38 =	vld.idx.msk [tilespmem:v56+s10+$0x0], $0xffff  }
0x9d: {  	v35 =	vor.u32 v3, v61;
	v36 =	vld.idx.msk [tilespmem:v36+s10+$0x0], $0xffff  }
0x9e: {  	v63 =	vor.u32 v8, v62;
	s18 =	simm.s32 $0x3  }
0x9f: {  	v45 =	vmov s18;
	v37 =	vor.u32 v9, v62  }
0xa0: {  	v46 =	vshll.u32 v45, $0x3  }
0xa1: {  	v47 =	vand.u32 $0x73, v45;
	v48 =	vand.u32 $0xC00, v46;
	[tilespmem:v39+s12+$0x0] =	vst.idx.msk $0xffff, v38  }
0xa2: {  	v49 =	vor.u32 v47, v48;
	[tilespmem:v35+s12+$0x0] =	vst.idx.msk $0xffff, v36  }
0xa3: {  	v50 =	vbroadcast v34, $0x4;
	v39 =	vor.u32 v2, v49;
	v51 =	vld.idx.msk [tilespmem:v63+s10+$0x0], $0xffff  }
0xa4: {  	v35 =	vor.u32 v3, v49;
	v37 =	vld.idx.msk [tilespmem:v37+s10+$0x0], $0xffff  }
0xa5: {  	s19 =	simm.s32 $0x4;
	v52 =	vor.u32 v10, v50  }
0xa6: {  	v53 =	vmov s19;
	v36 =	vor.u32 v11, v50  }
0xa7: {  	v54 =	vshll.u32 v53, $0x3  }
0xa8: {  	v55 =	vand.u32 $0x74, v53;
	v56 =	vand.u32 $0xC00, v54;
	[tilespmem:v39+s12+$0x0] =	vst.idx.msk $0xffff, v51  }
0xa9: {  	v57 =	vor.u32 v55, v56;
	[tilespmem:v35+s12+$0x0] =	vst.idx.msk $0xffff, v37  }
0xaa: {  	v58 =	vbroadcast v34, $0x5;
	v39 =	vor.u32 v2, v57;
	v59 =	vld.idx.msk [tilespmem:v52+s10+$0x0], $0xffff  }
0xab: {  	v35 =	vor.u32 v3, v57;
	v36 =	vld.idx.msk [tilespmem:v36+s10+$0x0], $0xffff  }
0xac: {  	s20 =	simm.s32 $0x5;
	v60 =	vor.u32 v12, v58  }
0xad: {  	v61 =	vmov s20;
	v37 =	vor.u32 v13, v58  }
0xae: {  	v62 =	vshll.u32 v61, $0x3  }
0xaf: {  	v43 =	vand.u32 $0xC00, v62;
	v63 =	vand.u32 $0x75, v61;
	[tilespmem:v39+s12+$0x0] =	vst.idx.msk $0xffff, v59  }
0xb0: {  	v44 =	vor.u32 v63, v43;
	[tilespmem:v35+s12+$0x0] =	vst.idx.msk $0xffff, v36  }
0xb1: {  	v45 =	vbroadcast v34, $0x6;
	v39 =	vor.u32 v2, v44;
	v46 =	vld.idx.msk [tilespmem:v60+s10+$0x0], $0xffff  }
0xb2: {  	v35 =	vor.u32 v3, v44;
	v37 =	vld.idx.msk [tilespmem:v37+s10+$0x0], $0xffff  }
0xb3: {  	s21 =	simm.s32 $0x6;
	v47 =	vor.u32 v14, v45  }
0xb4: {  	v48 =	vmov s21;
	v36 =	vor.u32 v15, v45  }
0xb5: {  	v49 =	vshll.u32 v48, $0x3  }
0xb6: {  	v50 =	vand.u32 $0x76, v48;
	v51 =	vand.u32 $0xC00, v49;
	[tilespmem:v39+s12+$0x0] =	vst.idx.msk $0xffff, v46  }
0xb7: {  	v52 =	vor.u32 v50, v51;
	[tilespmem:v35+s12+$0x0] =	vst.idx.msk $0xffff, v37  }
0xb8: {  	v53 =	vbroadcast v34, $0x7;
	v39 =	vor.u32 v2, v52;
	v54 =	vld.idx.msk [tilespmem:v47+s10+$0x0], $0xffff  }
0xb9: {  	v35 =	vor.u32 v3, v52;
	v36 =	vld.idx.msk [tilespmem:v36+s10+$0x0], $0xffff  }
0xba: {  	s22 =	simm.s32 $0x7;
	v55 =	vor.u32 v16, v53  }
0xbb: {  	v56 =	vmov s22;
	v37 =	vor.u32 v17, v53  }
0xbc: {  	v57 =	vshll.u32 v56, $0x3  }
0xbd: {  	v58 =	vand.u32 $0x77, v56;
	v59 =	vand.u32 $0xC00, v57;
	[tilespmem:v39+s12+$0x0] =	vst.idx.msk $0xffff, v54  }
0xbe: {  	v60 =	vor.u32 v58, v59;
	[tilespmem:v35+s12+$0x0] =	vst.idx.msk $0xffff, v36  }
0xbf: {  	v61 =	vbroadcast v34, $0x8;
	v39 =	vor.u32 v2, v60;
	v62 =	vld.idx.msk [tilespmem:v55+s10+$0x0], $0xffff  }
0xc0: {  	v35 =	vor.u32 v3, v60;
	v37 =	vld.idx.msk [tilespmem:v37+s10+$0x0], $0xffff  }
0xc1: {  	s23 =	simm.s32 $0x8;
	v63 =	vor.u32 v18, v61  }
0xc2: {  	v45 =	vmov s23;
	v36 =	vor.u32 v19, v61  }
0xc3: {  	v46 =	vshll.u32 v45, $0x3  }
0xc4: {  	v48 =	vand.u32 $0xC00, v46;
	v47 =	vand.u32 $0x78, v45;
	[tilespmem:v39+s12+$0x0] =	vst.idx.msk $0xffff, v62  }
0xc5: {  	v49 =	vor.u32 v47, v48;
	[tilespmem:v35+s12+$0x0] =	vst.idx.msk $0xffff, v37  }
0xc6: {  	v50 =	vbroadcast v34, $0x9;
	v39 =	vor.u32 v2, v49;
	v51 =	vld.idx.msk [tilespmem:v63+s10+$0x0], $0xffff  }
0xc7: {  	v35 =	vor.u32 v3, v49;
	v36 =	vld.idx.msk [tilespmem:v36+s10+$0x0], $0xffff  }
0xc8: {  	s24 =	simm.s32 $0x9;
	v52 =	vor.u32 v20, v50  }
0xc9: {  	v53 =	vmov s24;
	v37 =	vor.u32 v21, v50  }
0xca: {  	v54 =	vshll.u32 v53, $0x3  }
0xcb: {  	v56 =	vand.u32 $0xC00, v54;
	v55 =	vand.u32 $0x79, v53;
	[tilespmem:v39+s12+$0x0] =	vst.idx.msk $0xffff, v51  }
0xcc: {  	v57 =	vor.u32 v55, v56;
	[tilespmem:v35+s12+$0x0] =	vst.idx.msk $0xffff, v36  }
0xcd: {  	v58 =	vbroadcast v34, $0xA;
	v39 =	vor.u32 v2, v57;
	v59 =	vld.idx.msk [tilespmem:v52+s10+$0x0], $0xffff  }
0xce: {  	v35 =	vor.u32 v3, v57;
	v37 =	vld.idx.msk [tilespmem:v37+s10+$0x0], $0xffff  }
0xcf: {  	s25 =	simm.s32 $0xA;
	v60 =	vor.u32 v22, v58  }
0xd0: {  	v61 =	vmov s25;
	v36 =	vor.u32 v23, v58  }
0xd1: {  	v62 =	vshll.u32 v61, $0x3  }
0xd2: {  	v43 =	vand.u32 $0xC00, v62;
	v63 =	vand.u32 $0x7A, v61;
	[tilespmem:v39+s12+$0x0] =	vst.idx.msk $0xffff, v59  }
0xd3: {  	v44 =	vor.u32 v63, v43;
	[tilespmem:v35+s12+$0x0] =	vst.idx.msk $0xffff, v37  }
0xd4: {  	v45 =	vbroadcast v34, $0xB;
	v39 =	vor.u32 v2, v44;
	v46 =	vld.idx.msk [tilespmem:v60+s10+$0x0], $0xffff  }
0xd5: {  	v35 =	vor.u32 v3, v44;
	v36 =	vld.idx.msk [tilespmem:v36+s10+$0x0], $0xffff  }
0xd6: {  	s26 =	simm.s32 $0xB;
	v47 =	vor.u32 v24, v45  }
0xd7: {  	v48 =	vmov s26;
	v37 =	vor.u32 v25, v45  }
0xd8: {  	v49 =	vshll.u32 v48, $0x3  }
0xd9: {  	v50 =	vand.u32 $0x7B, v48;
	v51 =	vand.u32 $0xC00, v49;
	[tilespmem:v39+s12+$0x0] =	vst.idx.msk $0xffff, v46  }
0xda: {  	v52 =	vor.u32 v50, v51;
	[tilespmem:v35+s12+$0x0] =	vst.idx.msk $0xffff, v36  }
0xdb: {  	v53 =	vbroadcast v34, $0xC;
	v39 =	vor.u32 v2, v52;
	v54 =	vld.idx.msk [tilespmem:v47+s10+$0x0], $0xffff  }
0xdc: {  	v35 =	vor.u32 v3, v52;
	v37 =	vld.idx.msk [tilespmem:v37+s10+$0x0], $0xffff  }
0xdd: {  	s28 =	simm.s32 $0xC;
	v55 =	vor.u32 v26, v53  }
0xde: {  	v56 =	vmov s28;
	v36 =	vor.u32 v27, v53  }
0xdf: {  	v57 =	vshll.u32 v56, $0x3  }
0xe0: {  	v58 =	vand.u32 $0x7C, v56;
	v59 =	vand.u32 $0xC00, v57;
	[tilespmem:v39+s12+$0x0] =	vst.idx.msk $0xffff, v54  }
0xe1: {  	v60 =	vor.u32 v58, v59;
	[tilespmem:v35+s12+$0x0] =	vst.idx.msk $0xffff, v37  }
0xe2: {  	v61 =	vbroadcast v34, $0xD;
	v39 =	vor.u32 v2, v60;
	v62 =	vld.idx.msk [tilespmem:v55+s10+$0x0], $0xffff  }
0xe3: {  	v35 =	vor.u32 v3, v60;
	v36 =	vld.idx.msk [tilespmem:v36+s10+$0x0], $0xffff  }
0xe4: {  	s29 =	simm.s32 $0xD;
	v63 =	vor.u32 v28, v61  }
0xe5: {  	v45 =	vmov s29;
	v37 =	vor.u32 v29, v61  }
0xe6: {  	v46 =	vshll.u32 v45, $0x3  }
0xe7: {  	v48 =	vand.u32 $0xC00, v46;
	v47 =	vand.u32 $0x7D, v45;
	[tilespmem:v39+s12+$0x0] =	vst.idx.msk $0xffff, v62  }
0xe8: {  	v49 =	vor.u32 v47, v48;
	[tilespmem:v35+s12+$0x0] =	vst.idx.msk $0xffff, v36  }
0xe9: {  	v50 =	vbroadcast v34, $0xE;
	v39 =	vor.u32 v2, v49;
	v51 =	vld.idx.msk [tilespmem:v63+s10+$0x0], $0xffff  }
0xea: {  	v35 =	vor.u32 v3, v49;
	v37 =	vld.idx.msk [tilespmem:v37+s10+$0x0], $0xffff  }
0xeb: {  	s30 =	simm.s32 $0xE;
	v52 =	vor.u32 v30, v50  }
0xec: {  	v53 =	vmov s30;
	v36 =	vor.u32 v31, v50  }
0xed: {  	v54 =	vshll.u32 v53, $0x3  }
0xee: {  	v56 =	vand.u32 $0xC00, v54;
	v55 =	vand.u32 $0x7E, v53;
	[tilespmem:v39+s12+$0x0] =	vst.idx.msk $0xffff, v51  }
0xef: {  	v57 =	vor.u32 v55, v56;
	[tilespmem:v35+s12+$0x0] =	vst.idx.msk $0xffff, v37  }
0xf0: {  	v34 =	vbroadcast v34, $0xF;
	v38 =	vor.u32 v2, v57;
	v37 =	vld.idx.msk [tilespmem:v52+s10+$0x0], $0xffff  }
0xf1: {  	v35 =	vor.u32 v3, v57;
	v36 =	vld.idx.msk [tilespmem:v36+s10+$0x0], $0xffff  }
0xf2: {  	s31 =	simm.s32 $0xF;
	v58 =	vor.u32 v32, v34  }
0xf3: {  	v59 =	vmov s31  }
0xf4: {  	v60 =	vshll.u32 v59, $0x3  }
0xf5: {  	v61 =	vand.u32 $0x7F, v59;
	v62 =	vand.u32 $0xC00, v60;
	[tilespmem:v38+s12+$0x0] =	vst.idx.msk $0xffff, v37  }
0xf6: {  	v63 =	vor.u32 v61, v62;
	[tilespmem:v35+s12+$0x0] =	vst.idx.msk $0xffff, v36  }
0xf7: {  	v34 =	vor.u32 v33, v34;
	v37 =	vor.u32 v2, v63;
	v36 =	vld.idx.msk [tilespmem:v58+s10+$0x0], $0xffff;
	_ =	sdelay $0x4  }
0xf8: {  	s17 =	simm.s32 $0x0;
	s16 =	simm.s32 $0x1F;
	v35 =	vor.u32 v3, v63;
	v34 =	vld.idx.msk [tilespmem:v34+s10+$0x0], $0xffff;
	[tilespmem:v37+s12+$0x0] =	vst.idx.msk $0xffff, v36  }
.LBB2_2:
0xf9: {  	_ =	sdelay $0x3  }
0xfa: {  	s17 =	sadd.s32 $0x10, s17;
	[tilespmem:v35+s12+$0x0] =	vst.idx.msk $0xffff, v34  }
0xfb: {  	v34 =	vld [tilespmem:s17+$0x0];
	_ =	sdelay $0x4  }
0xfc: {  	v34 =	vadd.s32 $0x1, v34  }
0xfd: {  	v59 =	vshrl.u32 v34, $0x7  }
0xfe: {  	v50 =	vshll.u32 v59, $0x7  }
0xff: {  	(v2sf) =	vpush v50, $0x0  }
0x100: {  	(v2sf) =	vpush v50, $0x1  }
0x101: {  	(v2sf) =	vpush v50, $0x2;
	_ =	sdelay $0x1  }
0x102: {  	s20 =	rddreg [dreg:$0x10];
	(v2sf) =	vpush v50, $0x3  }
0x103: {  	s21 =	rddreg [dreg:$0xf]  }
0x104: {  	s22 =	rddreg [dreg:$0xe];
	(v2sf) =	vpush v50, $0x4  }
0x105: {  	s23 =	rddreg [dreg:$0xd]  }
0x106: {  	s24 =	rddreg [dreg:$0xc];
	(v2sf) =	vpush v50, $0x5  }
0x107: {  	s25 =	rddreg [dreg:$0xb]  }
0x108: {  	s26 =	rddreg [dreg:$0xa];
	(v2sf) =	vpush v50, $0x6  }
0x109: {  	s28 =	rddreg [dreg:$0x9]  }
0x10a: {  	s29 =	rddreg [dreg:$0x8];
	(v2sf) =	vpush v50, $0x7  }
0x10b: {  	s30 =	rddreg [dreg:$0x7]  }
0x10c: {  	s31 =	rddreg [dreg:$0x6];
	(v2sf) =	vpush v50, $0x8  }
0x10d: {  	s1 =	rddreg [dreg:$0x5];
	s3 =	spop (v2sf)  }
0x10e: {  	s13 =	rddreg [dreg:$0x4];
	s3 =	sand.u32 $0x1FFFFF80, s3;
	s14 =	spop (v2sf);
	(v2sf) =	vpush v50, $0x9  }
0x10f: {  	s3 =	sadd.s32 s0, s3;
	s14 =	sand.u32 $0x1FFFFF80, s14;
	s2 =	spop (v2sf)  }
0x110: {  	(v2sf) =	vpush v50, $0xA;
	[tilespmem:s10], [sflag:$0x1] =	stream.strided.gather [hbm4b:s3+s8], $0x1000, s9, s8, $0x38;
	[tilespmem:$0x14200] =	vst v63  }
0x111: {  	s3 =	sadd.s32 s0, s14;
	s2 =	sand.u32 $0x1FFFFF80, s2;
	s14 =	spop (v2sf)  }
0x112: {  	(v2sf) =	vpush v50, $0xB;
	[tilespmem:s13], [sflag:$0x1] =	stream.strided.gather [hbm4b:s3+s8], $0x1000, s9, s8, $0x38;
	[tilespmem:$0x14200] =	vst v63  }
0x113: {  	s2 =	sadd.s32 s0, s2;
	s13 =	sand.u32 $0x1FFFFF80, s14;
	s14 =	spop (v2sf)  }
0x114: {  	(v2sf) =	vpush v50, $0xC;
	[tilespmem:s1], [sflag:$0x1] =	stream.strided.gather [hbm4b:s2+s8], $0x1000, s9, s8, $0x38;
	[tilespmem:$0x14200] =	vst v63  }
0x115: {  	s3 =	sadd.s32 s0, s13;
	s13 =	sand.u32 $0x1FFFFF80, s14;
	s14 =	spop (v2sf)  }
0x116: {  	(v2sf) =	vpush v50, $0xD;
	[tilespmem:s31], [sflag:$0x1] =	stream.strided.gather [hbm4b:s3+s8], $0x1000, s9, s8, $0x38;
	[tilespmem:$0x14200] =	vst v63  }
0x117: {  	s2 =	sadd.s32 s0, s13;
	s13 =	spop (v2sf);
	s3 =	sand.u32 $0x1FFFFF80, s14  }
0x118: {  	(v2sf) =	vpush v50, $0xE;
	[tilespmem:s30], [sflag:$0x1] =	stream.strided.gather [hbm4b:s2+s8], $0x1000, s9, s8, $0x38;
	[tilespmem:$0x14200] =	vst v63  }
0x119: {  	s31 =	spop (v2sf);
	s14 =	sadd.s32 s0, s3;
	s30 =	sand.u32 $0x1FFFFF80, s13  }
0x11a: {  	(v2sf) =	vpush v50, $0xF;
	[tilespmem:s29], [sflag:$0x1] =	stream.strided.gather [hbm4b:s14+s8], $0x1000, s9, s8, $0x38;
	[tilespmem:$0x14200] =	vst v63  }
0x11b: {  	s13 =	sand.u32 $0x1FFFFF80, s31;
	s2 =	sadd.s32 s0, s30;
	s14 =	spop (v2sf)  }
0x11c: {  	[tilespmem:s28], [sflag:$0x1] =	stream.strided.gather [hbm4b:s2+s8], $0x1000, s9, s8, $0x38;
	[tilespmem:$0x14200] =	vst v63  }
0x11d: {  	s29 =	sadd.s32 s0, s13;
	s30 =	sand.u32 $0x1FFFFF80, s14;
	s31 =	spop (v2sf)  }
0x11e: {  	[tilespmem:s26], [sflag:$0x1] =	stream.strided.gather [hbm4b:s29+s8], $0x1000, s9, s8, $0x38;
	[tilespmem:$0x14200] =	vst v63  }
0x11f: {  	s2 =	sadd.s32 s0, s30;
	s13 =	sand.u32 $0x1FFFFF80, s31;
	s14 =	spop (v2sf)  }
0x120: {  	[tilespmem:s25], [sflag:$0x1] =	stream.strided.gather [hbm4b:s2+s8], $0x1000, s9, s8, $0x38;
	[tilespmem:$0x14200] =	vst v63  }
0x121: {  	s26 =	sand.u32 $0x1FFFFF80, s14;
	s28 =	spop (v2sf);
	s25 =	sadd.s32 s0, s13  }
0x122: {  	[tilespmem:s24], [sflag:$0x1] =	stream.strided.gather [hbm4b:s25+s8], $0x1000, s9, s8, $0x38;
	[tilespmem:$0x14200] =	vst v63  }
0x123: {  	s29 =	sadd.s32 s0, s26;
	s30 =	sand.u32 $0x1FFFFF80, s28;
	s31 =	spop (v2sf)  }
0x124: {  	[tilespmem:s23], [sflag:$0x1] =	stream.strided.gather [hbm4b:s29+s8], $0x1000, s9, s8, $0x38;
	[tilespmem:$0x14200] =	vst v63  }
0x125: {  	s2 =	sadd.s32 s0, s30;
	s13 =	sand.u32 $0x1FFFFF80, s31;
	s14 =	spop (v2sf)  }
0x126: {  	[tilespmem:s22], [sflag:$0x1] =	stream.strided.gather [hbm4b:s2+s8], $0x1000, s9, s8, $0x38;
	[tilespmem:$0x14200] =	vst v63  }
0x127: {  	s24 =	spop (v2sf);
	s23 =	sand.u32 $0x1FFFFF80, s14;
	s22 =	sadd.s32 s0, s13  }
0x128: {  	[tilespmem:s21], [sflag:$0x1] =	stream.strided.gather [hbm4b:s22+s8], $0x1000, s9, s8, $0x38;
	[tilespmem:$0x14200] =	vst v63  }
0x129: {  	s26 =	sand.u32 $0x1FFFFF80, s24;
	s25 =	sadd.s32 s0, s23;
	s28 =	spop (v2sf)  }
0x12a: {  	[tilespmem:s20], [sflag:$0x1] =	stream.strided.gather [hbm4b:s25+s8], $0x1000, s9, s8, $0x38;
	[tilespmem:$0x14200] =	vst v63  }
0x12b: {  	s19 =	rddreg [dreg:$0x11];
	s29 =	sadd.s32 s0, s26;
	s30 =	sand.u32 $0x1FFFFF80, s28  }
0x12c: {  	[tilespmem:s19], [sflag:$0x1] =	stream.strided.gather [hbm4b:s29+s8], $0x1000, s9, s8, $0x38;
	[tilespmem:$0x14200] =	vst v63  }
0x12d: {  	s31 =	rddreg [dreg:$0x12];
	s2 =	sadd.s32 s0, s30  }
0x12e: {  	[tilespmem:s31], [sflag:$0x1] =	stream.strided.gather [hbm4b:s2+s8], $0x1000, s9, s8, $0x38;
	[tilespmem:$0x14200] =	vst v63  }
0x12f: {  	_ =	swait.ge [sflag:s11], $0x1000  }
0x130: {  	[sflag:s11] =	ssyncset.done $0x0  }
0x131: {  	[sflag:s11] =	ssyncadd.s32 $0xFFFFF000  }
0x132: {  	_ =	swait.ge [sflag:s11], $0x1000  }
0x133: {  	[sflag:s11] =	ssyncset.done $0x0  }
0x134: {  	[sflag:s11] =	ssyncadd.s32 $0xFFFFF000  }
0x135: {  	_ =	swait.ge [sflag:s11], $0x1000  }
0x136: {  	[sflag:s11] =	ssyncset.done $0x0  }
0x137: {  	[sflag:s11] =	ssyncadd.s32 $0xFFFFF000  }
0x138: {  	_ =	swait.ge [sflag:s11], $0x1000  }
0x139: {  	[sflag:s11] =	ssyncset.done $0x0  }
0x13a: {  	[sflag:s11] =	ssyncadd.s32 $0xFFFFF000  }
0x13b: {  	_ =	swait.ge [sflag:s11], $0x1000  }
0x13c: {  	[sflag:s11] =	ssyncset.done $0x0  }
0x13d: {  	[sflag:s11] =	ssyncadd.s32 $0xFFFFF000  }
0x13e: {  	_ =	swait.ge [sflag:s11], $0x1000  }
0x13f: {  	[sflag:s11] =	ssyncset.done $0x0  }
0x140: {  	[sflag:s11] =	ssyncadd.s32 $0xFFFFF000  }
0x141: {  	_ =	swait.ge [sflag:s11], $0x1000  }
0x142: {  	[sflag:s11] =	ssyncset.done $0x0  }
0x143: {  	[sflag:s11] =	ssyncadd.s32 $0xFFFFF000  }
0x144: {  	_ =	swait.ge [sflag:s11], $0x1000  }
0x145: {  	[sflag:s11] =	ssyncset.done $0x0  }
0x146: {  	[sflag:s11] =	ssyncadd.s32 $0xFFFFF000  }
0x147: {  	_ =	swait.ge [sflag:s11], $0x1000  }
0x148: {  	[sflag:s11] =	ssyncset.done $0x0  }
0x149: {  	[sflag:s11] =	ssyncadd.s32 $0xFFFFF000  }
0x14a: {  	_ =	swait.ge [sflag:s11], $0x1000  }
0x14b: {  	[sflag:s11] =	ssyncset.done $0x0  }
0x14c: {  	[sflag:s11] =	ssyncadd.s32 $0xFFFFF000  }
0x14d: {  	_ =	swait.ge [sflag:s11], $0x1000  }
0x14e: {  	[sflag:s11] =	ssyncset.done $0x0  }
0x14f: {  	[sflag:s11] =	ssyncadd.s32 $0xFFFFF000  }
0x150: {  	_ =	swait.ge [sflag:s11], $0x1000  }
0x151: {  	[sflag:s11] =	ssyncset.done $0x0  }
0x152: {  	[sflag:s11] =	ssyncadd.s32 $0xFFFFF000  }
0x153: {  	_ =	swait.ge [sflag:s11], $0x1000  }
0x154: {  	[sflag:s11] =	ssyncset.done $0x0  }
0x155: {  	[sflag:s11] =	ssyncadd.s32 $0xFFFFF000  }
0x156: {  	_ =	swait.ge [sflag:s11], $0x1000  }
0x157: {  	v34 =	vand.u32 $0x7F, v34;
	[sflag:s11] =	ssyncset.done $0x0  }
0x158: {  	v49 =	vbroadcast v34, $0x0;
	[sflag:s11] =	ssyncadd.s32 $0xFFFFF000  }
0x159: {  	s18 =	smov.u32 s16;
	_ =	swait.ge [sflag:s11], $0x1000  }
0x15a: {  	v60 =	vor.u32 v0, v49;
	s3 =	sadd.s32 $0xFFFFFFF1, s18;
	[sflag:s11] =	ssyncset.done $0x0  }
0x15b: {  	v49 =	vor.u32 v1, v49;
	v51 =	vmov s3;
	[sflag:s11] =	ssyncadd.s32 $0xFFFFF000  }
0x15c: {  	v52 =	vshll.u32 v51, $0x3;
	_ =	swait.ge [sflag:s11], $0x1000  }
0x15d: {  	v51 =	vand.u32 $0x70, v51;
	v52 =	vand.u32 $0xC00, v52;
	[sflag:s11] =	ssyncset.done $0x0  }
0x15e: {  	v51 =	vor.u32 v51, v52;
	[sflag:s11] =	ssyncadd.s32 $0xFFFFF000  }
0x15f: {  	v48 =	vbroadcast v34, $0x1;
	v52 =	vor.u32 v2, v51;
	v50 =	vld.idx.msk [tilespmem:v60+s10+$0x0], $0xffff  }
0x160: {  	v51 =	vor.u32 v3, v51;
	v49 =	vld.idx.msk [tilespmem:v49+s10+$0x0], $0xffff  }
0x161: {  	v53 =	vor.u32 v4, v48;
	s13 =	sadd.s32 $0xFFFFFFF2, s18  }
0x162: {  	v48 =	vor.u32 v5, v48;
	v54 =	vmov s13  }
0x163: {  	v61 =	vshll.u32 v54, $0x3  }
0x164: {  	v62 =	vand.u32 $0x71, v54;
	[tilespmem:v52+s12+$0x0] =	vst.idx.msk $0xffff, v50;
	v50 =	vand.u32 $0xC00, v61  }
0x165: {  	[tilespmem:v51+s12+$0x0] =	vst.idx.msk $0xffff, v49;
	v49 =	vor.u32 v62, v50  }
0x166: {  	v47 =	vbroadcast v34, $0x2;
	v51 =	vld.idx.msk [tilespmem:v53+s10+$0x0], $0xffff;
	v50 =	vor.u32 v2, v49  }
0x167: {  	v48 =	vld.idx.msk [tilespmem:v48+s10+$0x0], $0xffff;
	v49 =	vor.u32 v3, v49  }
0x168: {  	v63 =	vor.u32 v6, v47;
	s14 =	sadd.s32 $0xFFFFFFF3, s18  }
0x169: {  	v47 =	vor.u32 v7, v47;
	v56 =	vmov s14  }
0x16a: {  	v57 =	vshll.u32 v56, $0x3  }
0x16b: {  	v58 =	vand.u32 $0x72, v56;
	v59 =	vand.u32 $0xC00, v57;
	[tilespmem:v50+s12+$0x0] =	vst.idx.msk $0xffff, v51  }
0x16c: {  	[tilespmem:v49+s12+$0x0] =	vst.idx.msk $0xffff, v48;
	v48 =	vor.u32 v58, v59  }
0x16d: {  	v46 =	vbroadcast v34, $0x3;
	v60 =	vld.idx.msk [tilespmem:v63+s10+$0x0], $0xffff;
	v49 =	vor.u32 v2, v48  }
0x16e: {  	v47 =	vld.idx.msk [tilespmem:v47+s10+$0x0], $0xffff;
	v48 =	vor.u32 v3, v48  }
0x16f: {  	s19 =	sadd.s32 $0xFFFFFFF4, s18;
	v61 =	vor.u32 v8, v46  }
0x170: {  	v46 =	vor.u32 v9, v46;
	v62 =	vmov s19  }
0x171: {  	v63 =	vshll.u32 v62, $0x3  }
0x172: {  	v53 =	vand.u32 $0x73, v62;
	v54 =	vand.u32 $0xC00, v63;
	[tilespmem:v49+s12+$0x0] =	vst.idx.msk $0xffff, v60  }
0x173: {  	[tilespmem:v48+s12+$0x0] =	vst.idx.msk $0xffff, v47;
	v47 =	vor.u32 v53, v54  }
0x174: {  	v45 =	vbroadcast v34, $0x4;
	v55 =	vld.idx.msk [tilespmem:v61+s10+$0x0], $0xffff;
	v48 =	vor.u32 v2, v47  }
0x175: {  	v46 =	vld.idx.msk [tilespmem:v46+s10+$0x0], $0xffff;
	v47 =	vor.u32 v3, v47  }
0x176: {  	v56 =	vor.u32 v10, v45;
	s20 =	sadd.s32 $0xFFFFFFF5, s18  }
0x177: {  	v45 =	vor.u32 v11, v45;
	v57 =	vmov s20  }
0x178: {  	v58 =	vshll.u32 v57, $0x3  }
0x179: {  	v59 =	vand.u32 $0x74, v57;
	v60 =	vand.u32 $0xC00, v58;
	[tilespmem:v48+s12+$0x0] =	vst.idx.msk $0xffff, v55  }
0x17a: {  	[tilespmem:v47+s12+$0x0] =	vst.idx.msk $0xffff, v46;
	v46 =	vor.u32 v59, v60  }
0x17b: {  	v44 =	vbroadcast v34, $0x5;
	v61 =	vld.idx.msk [tilespmem:v56+s10+$0x0], $0xffff;
	v47 =	vor.u32 v2, v46  }
0x17c: {  	v45 =	vld.idx.msk [tilespmem:v45+s10+$0x0], $0xffff;
	v46 =	vor.u32 v3, v46  }
0x17d: {  	s21 =	sadd.s32 $0xFFFFFFF6, s18;
	v62 =	vor.u32 v12, v44  }
0x17e: {  	v44 =	vor.u32 v13, v44;
	v63 =	vmov s21  }
0x17f: {  	v51 =	vshll.u32 v63, $0x3  }
0x180: {  	v52 =	vand.u32 $0x75, v63;
	v53 =	vand.u32 $0xC00, v51;
	[tilespmem:v47+s12+$0x0] =	vst.idx.msk $0xffff, v61  }
0x181: {  	[tilespmem:v46+s12+$0x0] =	vst.idx.msk $0xffff, v45;
	v45 =	vor.u32 v52, v53  }
0x182: {  	v43 =	vbroadcast v34, $0x6;
	v54 =	vld.idx.msk [tilespmem:v62+s10+$0x0], $0xffff;
	v46 =	vor.u32 v2, v45  }
0x183: {  	v44 =	vld.idx.msk [tilespmem:v44+s10+$0x0], $0xffff;
	v45 =	vor.u32 v3, v45  }
0x184: {  	s22 =	sadd.s32 $0xFFFFFFF7, s18;
	v55 =	vor.u32 v14, v43  }
0x185: {  	v43 =	vor.u32 v15, v43;
	v56 =	vmov s22  }
0x186: {  	v57 =	vshll.u32 v56, $0x3  }
0x187: {  	v58 =	vand.u32 $0x76, v56;
	v59 =	vand.u32 $0xC00, v57;
	[tilespmem:v46+s12+$0x0] =	vst.idx.msk $0xffff, v54  }
0x188: {  	[tilespmem:v45+s12+$0x0] =	vst.idx.msk $0xffff, v44;
	v44 =	vor.u32 v58, v59  }
0x189: {  	v42 =	vbroadcast v34, $0x7;
	v60 =	vld.idx.msk [tilespmem:v55+s10+$0x0], $0xffff;
	v45 =	vor.u32 v2, v44  }
0x18a: {  	v43 =	vld.idx.msk [tilespmem:v43+s10+$0x0], $0xffff;
	v44 =	vor.u32 v3, v44  }
0x18b: {  	s23 =	sadd.s32 $0xFFFFFFF8, s18;
	v61 =	vor.u32 v16, v42  }
0x18c: {  	v42 =	vor.u32 v17, v42;
	v62 =	vmov s23  }
0x18d: {  	v63 =	vshll.u32 v62, $0x3  }
0x18e: {  	v49 =	vand.u32 $0x77, v62;
	v50 =	vand.u32 $0xC00, v63;
	[tilespmem:v45+s12+$0x0] =	vst.idx.msk $0xffff, v60  }
0x18f: {  	[tilespmem:v44+s12+$0x0] =	vst.idx.msk $0xffff, v43;
	v43 =	vor.u32 v49, v50  }
0x190: {  	v41 =	vbroadcast v34, $0x8;
	v51 =	vld.idx.msk [tilespmem:v61+s10+$0x0], $0xffff;
	v44 =	vor.u32 v2, v43  }
0x191: {  	v42 =	vld.idx.msk [tilespmem:v42+s10+$0x0], $0xffff;
	v43 =	vor.u32 v3, v43  }
0x192: {  	s24 =	sadd.s32 $0xFFFFFFF9, s18;
	v52 =	vor.u32 v18, v41  }
0x193: {  	v41 =	vor.u32 v19, v41;
	v53 =	vmov s24  }
0x194: {  	v54 =	vshll.u32 v53, $0x3  }
0x195: {  	v56 =	vand.u32 $0xC00, v54;
	v55 =	vand.u32 $0x78, v53;
	[tilespmem:v44+s12+$0x0] =	vst.idx.msk $0xffff, v51  }
0x196: {  	[tilespmem:v43+s12+$0x0] =	vst.idx.msk $0xffff, v42;
	v42 =	vor.u32 v55, v56  }
0x197: {  	v40 =	vbroadcast v34, $0x9;
	v57 =	vld.idx.msk [tilespmem:v52+s10+$0x0], $0xffff;
	v43 =	vor.u32 v2, v42  }
0x198: {  	v41 =	vld.idx.msk [tilespmem:v41+s10+$0x0], $0xffff;
	v42 =	vor.u32 v3, v42  }
0x199: {  	s25 =	sadd.s32 $0xFFFFFFFA, s18;
	v58 =	vor.u32 v20, v40  }
0x19a: {  	v40 =	vor.u32 v21, v40;
	v59 =	vmov s25  }
0x19b: {  	v60 =	vshll.u32 v59, $0x3  }
0x19c: {  	v62 =	vand.u32 $0xC00, v60;
	v61 =	vand.u32 $0x79, v59;
	[tilespmem:v43+s12+$0x0] =	vst.idx.msk $0xffff, v57  }
0x19d: {  	[tilespmem:v42+s12+$0x0] =	vst.idx.msk $0xffff, v41;
	v41 =	vor.u32 v61, v62  }
0x19e: {  	v39 =	vbroadcast v34, $0xA;
	v63 =	vld.idx.msk [tilespmem:v58+s10+$0x0], $0xffff;
	v42 =	vor.u32 v2, v41  }
0x19f: {  	v40 =	vld.idx.msk [tilespmem:v40+s10+$0x0], $0xffff;
	v41 =	vor.u32 v3, v41  }
0x1a0: {  	s26 =	sadd.s32 $0xFFFFFFFB, s18;
	v48 =	vor.u32 v22, v39  }
0x1a1: {  	v39 =	vor.u32 v23, v39;
	v49 =	vmov s26  }
0x1a2: {  	v50 =	vshll.u32 v49, $0x3  }
0x1a3: {  	v51 =	vand.u32 $0x7A, v49;
	v52 =	vand.u32 $0xC00, v50;
	[tilespmem:v42+s12+$0x0] =	vst.idx.msk $0xffff, v63  }
0x1a4: {  	[tilespmem:v41+s12+$0x0] =	vst.idx.msk $0xffff, v40;
	v40 =	vor.u32 v51, v52  }
0x1a5: {  	v38 =	vbroadcast v34, $0xB;
	v53 =	vld.idx.msk [tilespmem:v48+s10+$0x0], $0xffff;
	v41 =	vor.u32 v2, v40  }
0x1a6: {  	v39 =	vld.idx.msk [tilespmem:v39+s10+$0x0], $0xffff;
	v40 =	vor.u32 v3, v40  }
0x1a7: {  	s28 =	sadd.s32 $0xFFFFFFFC, s18;
	v54 =	vor.u32 v24, v38  }
0x1a8: {  	v38 =	vor.u32 v25, v38;
	v55 =	vmov s28  }
0x1a9: {  	v56 =	vshll.u32 v55, $0x3  }
0x1aa: {  	v57 =	vand.u32 $0x7B, v55;
	v58 =	vand.u32 $0xC00, v56;
	[tilespmem:v41+s12+$0x0] =	vst.idx.msk $0xffff, v53  }
0x1ab: {  	[tilespmem:v40+s12+$0x0] =	vst.idx.msk $0xffff, v39;
	v39 =	vor.u32 v57, v58  }
0x1ac: {  	v37 =	vbroadcast v34, $0xC;
	v59 =	vld.idx.msk [tilespmem:v54+s10+$0x0], $0xffff;
	v40 =	vor.u32 v2, v39  }
0x1ad: {  	v38 =	vld.idx.msk [tilespmem:v38+s10+$0x0], $0xffff;
	v39 =	vor.u32 v3, v39  }
0x1ae: {  	s29 =	sadd.s32 $0xFFFFFFFD, s18;
	v60 =	vor.u32 v26, v37  }
0x1af: {  	v37 =	vor.u32 v27, v37;
	v61 =	vmov s29  }
0x1b0: {  	v62 =	vshll.u32 v61, $0x3  }
0x1b1: {  	v44 =	vand.u32 $0xC00, v62;
	v63 =	vand.u32 $0x7C, v61;
	[tilespmem:v40+s12+$0x0] =	vst.idx.msk $0xffff, v59  }
0x1b2: {  	[tilespmem:v39+s12+$0x0] =	vst.idx.msk $0xffff, v38;
	v38 =	vor.u32 v63, v44  }
0x1b3: {  	v36 =	vbroadcast v34, $0xD;
	v45 =	vld.idx.msk [tilespmem:v60+s10+$0x0], $0xffff;
	v39 =	vor.u32 v2, v38  }
0x1b4: {  	v37 =	vld.idx.msk [tilespmem:v37+s10+$0x0], $0xffff;
	v38 =	vor.u32 v3, v38  }
0x1b5: {  	s30 =	sadd.s32 $0xFFFFFFFE, s18;
	v46 =	vor.u32 v28, v36  }
0x1b6: {  	v47 =	vmov s30;
	v36 =	vor.u32 v29, v36  }
0x1b7: {  	v48 =	vshll.u32 v47, $0x3  }
0x1b8: {  	v49 =	vand.u32 $0x7D, v47;
	v50 =	vand.u32 $0xC00, v48;
	[tilespmem:v39+s12+$0x0] =	vst.idx.msk $0xffff, v45  }
0x1b9: {  	[tilespmem:v38+s12+$0x0] =	vst.idx.msk $0xffff, v37;
	v37 =	vor.u32 v49, v50  }
0x1ba: {  	v35 =	vbroadcast v34, $0xE;
	v51 =	vld.idx.msk [tilespmem:v46+s10+$0x0], $0xffff;
	v38 =	vor.u32 v2, v37  }
0x1bb: {  	v36 =	vld.idx.msk [tilespmem:v36+s10+$0x0], $0xffff;
	v37 =	vor.u32 v3, v37  }
0x1bc: {  	s31 =	sadd.s32 $0xFFFFFFFF, s18;
	v52 =	vor.u32 v30, v35  }
0x1bd: {  	v35 =	vor.u32 v31, v35;
	v53 =	vmov s31  }
0x1be: {  	v54 =	vshll.u32 v53, $0x3  }
0x1bf: {  	v55 =	vand.u32 $0x7E, v53;
	v56 =	vand.u32 $0xC00, v54;
	[tilespmem:v38+s12+$0x0] =	vst.idx.msk $0xffff, v51  }
0x1c0: {  	[tilespmem:v37+s12+$0x0] =	vst.idx.msk $0xffff, v36;
	v36 =	vor.u32 v55, v56  }
0x1c1: {  	v34 =	vbroadcast v34, $0xF;
	v57 =	vld.idx.msk [tilespmem:v52+s10+$0x0], $0xffff;
	v37 =	vor.u32 v2, v36  }
0x1c2: {  	v35 =	vld.idx.msk [tilespmem:v35+s10+$0x0], $0xffff;
	v36 =	vor.u32 v3, v36  }
0x1c3: {  	v58 =	vor.u32 v32, v34  }
0x1c4: {  	v59 =	vmov s18  }
0x1c5: {  	v60 =	vshll.u32 v59, $0x3  }
0x1c6: {  	v61 =	vand.u32 $0x7F, v59;
	v62 =	vand.u32 $0xC00, v60;
	[tilespmem:v37+s12+$0x0] =	vst.idx.msk $0xffff, v57  }
0x1c7: {  	[tilespmem:v36+s12+$0x0] =	vst.idx.msk $0xffff, v35;
	v35 =	vor.u32 v61, v62  }
0x1c8: {  	p0 =	sne.s32 s16, $0x1FF;
	v34 =	vor.u32 v33, v34;
	v63 =	vld.idx.msk [tilespmem:v58+s10+$0x0], $0xffff;
	v36 =	vor.u32 v2, v35  }
.Ltmp0:
0x1c9: {  	_ = 	snop;
	(pc) =	sbr.rel @p0 .LBB2_2-.Ltmp0, $2  }
0x1ca: {  	_ =	sdelay $0x2  }
0x1cb: {  	s16 =	sadd.s32 $0x10, s16;
	v34 =	vld.idx.msk [tilespmem:v34+s10+$0x0], $0xffff;
	v35 =	vor.u32 v3, v35;
	[tilespmem:v36+s12+$0x0] =	vst.idx.msk $0xffff, v63  }
0x1cc: {  	_ =	sdelay $0x1  }
0x1cd: {  	s15 =	sadd.s32 $0x1, s15  }
0x1ce: {  	p0 =	sne.s32 s15, s6  }
.Ltmp1:
0x1cf: {  	s1 =	simm.s32 $0x1000;
	s2 =	simm.s32 $0x20000;
	[tilespmem:v35+s12+$0x0] =	vst.idx.msk $0xffff, v34;
	(pc) =	sbr.rel @p0 .LBB2_1-.Ltmp1, $4  }
0x1d0: {  	[hbm4b:s5+s1] =	stream.strided.scatter [tilespmem:s12], [sflag:$0x2], $0x4000, s2, s1, $0x38;
	[tilespmem:$0x14200] =	vst v63  }
0x1d1: {  	_ =	swait.ge [sflag:s7], $0x4000  }
0x1d2: {  	[sflag:s7] =	ssyncset.done $0x0  }
0x1d3: {  	[sflag:s7] =	ssyncadd.s32 $0xFFFFC000  }
0x1d4: {  	_ =	sfence.sel $0x180000  }
0x1d5: {  	[bflag:$0x0] =	sbarrier.arrive $0xFFFF  }
0x1d6: {  	_ =	strace $0x90000047  }
0x1d7: {  	s0 =	stileid.u32;
	[bflag:$0x2] =	sbarrier.arrive $0xFFFF  }
0x1d8: {  	p0 =	sne.s32 s0, $0x0;
	s0 =	rddreg [dreg:$0x3]  }
0x1d9: {  	s0 =	sadd.s32 @!p0 $0x100000, s0  }
0x1da: {  	[sflag:s0] =	ssyncadd.tile.s32 @!p0 $0x1;
	_ =	shalt  }
.Lfunc_end2:
_tile_overlayer_lowered:
.L_overlay_start_2:
0x1db: {  	(tag) =	ssettag $0x2  }
0x1dc: {  	s0 =	rddreg [dreg:$0x0];
	s2 =	stileid.u32  }
0x1dd: {  	s1 =	rddreg [dreg:$0x1];
	p0 =	sne.s32 s2, $0x0  }
0x1de: {  	s3 =	rddreg [dreg:$0x2];
	[bflag:$0x3] =	sbarrier.arrive $0xFFFF;
	s2 =	simm.s32 @!p0 $0x1C02  }
0x1df: {  	[timem:s3], [sflag:s2] =	dma.local @!p0 [hbm:s0], s1  }
0x1e0: {  	s0 =	simm.s32 @!p0 $0x2  }
0x1e1: {  	_ =	swait.ge @!p0 [sflag:s0], s1  }
0x1e2: {  	s1 =	ssub.s32 @!p0 $0x0, s1;
	[sflag:s0] =	ssyncset.done @!p0 $0x0  }
0x1e3: {  	[sflag:s0] =	ssyncadd.s32 @!p0 s1  }
0x1e4: {  	[bflag:$0x3] =	sbarrier.arrive $0xFFFF  }
0x1e5: {  	_ =	shalt  }

</sc_bundles>
